<compile_context>
chip_gen: v7x
topology: tpu7x:2x2x1
jax: 0.10.2.dev20260603
libtpu: 0.0.44.dev20260713+nightly
codegen_flags: <defaults>
</compile_context>

<pallas_src>
import functools
import jax
import jax.numpy as jnp
from jax import lax
from jax.experimental import pallas as pl
from jax.experimental.pallas import tpu as pltpu
from jax.experimental.pallas import tpu_sc as plsc

_NOISE = 0.1
_ROWS = 73728
_W = 384
_E = _ROWS * _W
_B2 = 8192
_N2 = _ROWS // _B2

_NW = 32
_PER_W = _E // _NW
_C = 16384
_NCHUNK = _PER_W // _C


def _red_kernel(img_ref, mm_ref, vmin_ref, vmax_ref):
    i = pl.program_id(0)

    @pl.when(i == 0)
    def _init():
        vmin_ref[...] = jnp.full((8, _W), jnp.inf, jnp.float32)
        vmax_ref[...] = jnp.full((8, _W), -jnp.inf, jnp.float32)

    for c in range(0, _B2, 512):
        xr = img_ref[pl.ds(c, 512), :].reshape(64, 8, _W)
        vmin_ref[...] = jnp.minimum(vmin_ref[...], jnp.min(xr, axis=0))
        vmax_ref[...] = jnp.maximum(vmax_ref[...], jnp.max(xr, axis=0))

    @pl.when(i == _N2 - 1)
    def _fin():
        mm_ref[0:1, :] = jnp.full((1, 128), jnp.min(vmin_ref[...]), jnp.float32)
        mm_ref[1:2, :] = jnp.full((1, 128), jnp.max(vmax_ref[...]), jnp.float32)


def _tc_reduce(x):
    return pl.pallas_call(
        _red_kernel,
        grid=(_N2,),
        in_specs=[pl.BlockSpec((_B2, _W), lambda i: (i, 0))],
        out_specs=pl.BlockSpec((8, 128), lambda i: (0, 0)),
        out_shape=jax.ShapeDtypeStruct((8, 128), jnp.float32),
        scratch_shapes=[
            pltpu.VMEM((8, _W), jnp.float32),
            pltpu.VMEM((8, _W), jnp.float32),
        ],
    )(x)


def _make_sc_apply():
    mesh = plsc.VectorSubcoreMesh(core_axis_name="c", subcore_axis_name="s")

    @functools.partial(
        pl.kernel,
        mesh=mesh,
        out_type=jax.ShapeDtypeStruct((_E,), jnp.float32),
        scratch_types=[
            pltpu.VMEM((_C,), jnp.float32),
            pltpu.VMEM((_C,), jnp.float32),
            pltpu.VMEM((8, 128), jnp.float32),
        ],
    )
    def sc_apply(img_hbm, u_hbm, mm_hbm, out_hbm, xb, ub, mmv):
        wid = lax.axis_index("s") * 2 + lax.axis_index("c")
        base = wid * _PER_W
        pltpu.sync_copy(mm_hbm, mmv)
        mn = mmv[0, pl.ds(0, 16)]
        mx = mmv[1, pl.ds(0, 16)]

        def chunk_body(k, carry):
            off = base + k * _C
            pltpu.sync_copy(img_hbm.at[pl.ds(off, _C)], xb)
            pltpu.sync_copy(u_hbm.at[pl.ds(off, _C)], ub)

            def vec_body(v, c2):
                idx = v * 16
                x = xb[pl.ds(idx, 16)]
                u = ub[pl.ds(idx, 16)]
                o = jnp.where(u < _NOISE, mn, x)
                xb[pl.ds(idx, 16)] = jnp.where(u > 1.0 - _NOISE, mx, o)
                return c2

            lax.fori_loop(0, _C // 16, vec_body, 0, unroll=16)
            pltpu.sync_copy(xb, out_hbm.at[pl.ds(off, _C)])
            return carry

        lax.fori_loop(0, _NCHUNK, chunk_body, 0)

    return sc_apply


_sc_apply = _make_sc_apply()


def kernel(img, noise_u):
    x2 = img.reshape(_ROWS, _W)
    mm = _tc_reduce(x2)
    out = _sc_apply(img.reshape(_E), noise_u.reshape(_E), mm)
    return out.reshape(img.shape)

# --- scband reference (transcript-rebuilt; emitter-appended) ---
"""Pipeline reference for scband-salt-and-pepper-75033078661770 (READ-ONLY COPY).

The authoritative reference and input builder live on the scoring server;
editing this copy changes nothing except your own understanding.
"""

import jax, jax.numpy as jnp
import numpy as np

NOISE = 0.1
PROBABILITY = 1.0

def setup_inputs(seed: int = 0) -> dict:
    key = jax.random.key(seed)
    k1, k2 = jax.random.split(key)
    img = jax.random.normal(k1, (192, 384, 384), dtype=jnp.float32)
    # uniform noise field that the torch module would draw via torch.rand_like(img);
    # passed in explicitly so the reference is deterministic
    noise_u = jax.random.uniform(k2, (192, 384, 384), dtype=jnp.float32)
    return {"img": img, "noise_u": noise_u}

def reference(img, noise_u):
    # probability = 1.0 > rand(1) is always true, so the noise branch always executes.
    # torch: img[salt] = img.min().item()  (min of original img)
    #        img[pepper] = img.max().item() (max after salt writes; salt writes min values,
    #        which cannot raise the max, so this equals the original max)
    mn = jax.lax.stop_gradient(jnp.min(img))
    mx = jax.lax.stop_gradient(jnp.max(img))
    salt_mask = noise_u < NOISE
    pepper_mask = noise_u > (1.0 - NOISE)
    out = jnp.where(salt_mask, mn, img)
    out = jnp.where(pepper_mask, mx, out)
    return out

if __name__ == "__main__":
    import jax
    _d = setup_inputs()
    print(jax.jit(kernel)(*tuple(_d.values())))

</pallas_src>

<mosaic_0001>
#map = affine_map<(d0, d1) -> (0)>
#map1 = affine_map<(d0, d1) -> (0, 0)>
module attributes {stable_mosaic.version = 14 : i64} {
  func.func @sc_apply(%arg0: i32, %arg1: i32, %arg2: memref<28311552xf32, #tpu.memory_space<hbm>>, %arg3: memref<28311552xf32, #tpu.memory_space<hbm>>, %arg4: memref<8x128xf32, #tpu.memory_space<hbm>>, %arg5: memref<28311552xf32, #tpu.memory_space<hbm>>, %arg6: memref<16384xf32, #tpu.memory_space<vmem>>, %arg7: memref<16384xf32, #tpu.memory_space<vmem>>, %arg8: memref<8x128xf32, #tpu.memory_space<vmem>>) attributes {dimension_semantics = [#tpu.dimension_semantics<core_parallel>, #tpu.dimension_semantics<subcore_parallel>], iteration_bounds = array<i64: 2, 16>, scalar_prefetch = 0 : i64, scratch_operands = 3 : i64, tpu.core_type = #tpu.core_type<sc_vector_subcore>, window_params = [{transform_indices = #map}, {transform_indices = #map}, {transform_indices = #map1}, {transform_indices = #map}]} {
    %mul3A = arith.constant 2 : i32
    %mul3A_0 = arith.muli %arg1, %mul3A : i32
    %add3A = arith.addi %mul3A_0, %arg0 : i32
    %mul3A_1 = arith.constant 884736 : i32
    %mul3A_2 = arith.muli %add3A, %mul3A_1 : i32
    "tpu.region"() ({
      %run_scoped3A = tpu.sem_alloc : memref<!tpu.dma_semaphore, #tpu.memory_space<semaphore_mem>>
      tpu.enqueue_dma source(%arg4 : memref<8x128xf32, #tpu.memory_space<hbm>>) target(%arg8 : memref<8x128xf32, #tpu.memory_space<vmem>>) target_semaphore(%run_scoped3A : memref<!tpu.dma_semaphore, #tpu.memory_space<semaphore_mem>>)
      tpu.wait_dma2 semaphore(%run_scoped3A : memref<!tpu.dma_semaphore, #tpu.memory_space<semaphore_mem>>) src(%arg4 : memref<8x128xf32, #tpu.memory_space<hbm>>) dst(%arg8 : memref<8x128xf32, #tpu.memory_space<vmem>>)
      tpu.yield
    }) : () -> ()
    %get3A = arith.constant 0 : i32
    %get3A_3 = arith.index_cast %get3A : i32 to index
    %get3A_4 = arith.constant 0 : index
    %get3A_5 = tpu.vector_load %arg8[%get3A_3, %get3A_4] {strides = array<i32>} : memref<8x128xf32, #tpu.memory_space<vmem>>, vector<1x16xf32>,
    %get3A_6 = vector.shape_cast %get3A_5 : vector<1x16xf32> to vector<16xf32>
    %get3A_7 = arith.constant 1 : i32
    %get3A_8 = arith.index_cast %get3A_7 : i32 to index
    %get3A_9 = arith.constant 0 : index
    %get3A_10 = tpu.vector_load %arg8[%get3A_8, %get3A_9] {strides = array<i32>} : memref<8x128xf32, #tpu.memory_space<vmem>>, vector<1x16xf32>,
    %get3A_11 = vector.shape_cast %get3A_10 : vector<1x16xf32> to vector<16xf32>
    %scan3A = arith.constant 0 : i32
    %scan3A_12 = arith.constant 0 : i32
    %scan3A_13 = arith.constant 54 : i32
    %scan3A_14 = arith.addi %scan3A_12, %scan3A_13 : i32
    %scan3A_15 = arith.constant 1 : i32
    scf.for %scan3A_17 = %scan3A_12 to %scan3A_14 step %scan3A_15  : i32 {
      %mul3A_18 = arith.constant 16384 : i32
      %mul3A_19 = arith.muli %scan3A_17, %mul3A_18 : i32
      %add3A_20 = arith.addi %mul3A_2, %mul3A_19 : i32
      "tpu.region"() ({
        %run_scoped3A = tpu.sem_alloc : memref<!tpu.dma_semaphore, #tpu.memory_space<semaphore_mem>>
        %dma_start3A = tpu.memref_slice %arg2[%add3A_20] : memref<28311552xf32, #tpu.memory_space<hbm>> -> memref<16384xf32, #tpu.memory_space<hbm>>
        %dma_start3A_27 = tpu.memref_slice %arg2[%add3A_20] : memref<28311552xf32, #tpu.memory_space<hbm>> -> memref<16384xf32, #tpu.memory_space<hbm>>
        tpu.enqueue_dma source(%dma_start3A_27 : memref<16384xf32, #tpu.memory_space<hbm>>) target(%arg6 : memref<16384xf32, #tpu.memory_space<vmem>>) target_semaphore(%run_scoped3A : memref<!tpu.dma_semaphore, #tpu.memory_space<semaphore_mem>>)
        %dma_wait3A = tpu.memref_slice %arg2[%add3A_20] : memref<28311552xf32, #tpu.memory_space<hbm>> -> memref<16384xf32, #tpu.memory_space<hbm>>
        %dma_wait3A_28 = tpu.memref_slice %arg2[%add3A_20] : memref<28311552xf32, #tpu.memory_space<hbm>> -> memref<16384xf32, #tpu.memory_space<hbm>>
        tpu.wait_dma2 semaphore(%run_scoped3A : memref<!tpu.dma_semaphore, #tpu.memory_space<semaphore_mem>>) src(%dma_wait3A_28 : memref<16384xf32, #tpu.memory_space<hbm>>) dst(%arg6 : memref<16384xf32, #tpu.memory_space<vmem>>)
        tpu.yield
      }) : () -> ()
      "tpu.region"() ({
        %run_scoped3A = tpu.sem_alloc : memref<!tpu.dma_semaphore, #tpu.memory_space<semaphore_mem>>
        %dma_start3A = tpu.memref_slice %arg3[%add3A_20] : memref<28311552xf32, #tpu.memory_space<hbm>> -> memref<16384xf32, #tpu.memory_space<hbm>>
        %dma_start3A_27 = tpu.memref_slice %arg3[%add3A_20] : memref<28311552xf32, #tpu.memory_space<hbm>> -> memref<16384xf32, #tpu.memory_space<hbm>>
        tpu.enqueue_dma source(%dma_start3A_27 : memref<16384xf32, #tpu.memory_space<hbm>>) target(%arg7 : memref<16384xf32, #tpu.memory_space<vmem>>) target_semaphore(%run_scoped3A : memref<!tpu.dma_semaphore, #tpu.memory_space<semaphore_mem>>)
        %dma_wait3A = tpu.memref_slice %arg3[%add3A_20] : memref<28311552xf32, #tpu.memory_space<hbm>> -> memref<16384xf32, #tpu.memory_space<hbm>>
        %dma_wait3A_28 = tpu.memref_slice %arg3[%add3A_20] : memref<28311552xf32, #tpu.memory_space<hbm>> -> memref<16384xf32, #tpu.memory_space<hbm>>
        tpu.wait_dma2 semaphore(%run_scoped3A : memref<!tpu.dma_semaphore, #tpu.memory_space<semaphore_mem>>) src(%dma_wait3A_28 : memref<16384xf32, #tpu.memory_space<hbm>>) dst(%arg7 : memref<16384xf32, #tpu.memory_space<vmem>>)
        tpu.yield
      }) : () -> ()
      %scan3A_21 = arith.constant 0 : i32
      %scan3A_22 = arith.constant 0 : i32
      %scan3A_23 = arith.constant 1024 : i32
      %scan3A_24 = arith.addi %scan3A_22, %scan3A_23 : i32
      %scan3A_25 = arith.constant 16 : i32
      scf.for %scan3A_27 = %scan3A_22 to %scan3A_24 step %scan3A_25  : i32 {
        %mul3A_28 = arith.constant 16 : i32
        %mul3A_29 = arith.muli %scan3A_27, %mul3A_28 : i32
        %get3A_30 = arith.index_cast %mul3A_29 : i32 to index
        %get3A_31 = tpu.vector_load %arg6[%get3A_30] {strides = array<i32>} : memref<16384xf32, #tpu.memory_space<vmem>>, vector<16xf32>,
        %get3A_32 = vector.shape_cast %get3A_31 : vector<16xf32> to vector<16xf32>
        %get3A_33 = arith.index_cast %mul3A_29 : i32 to index
        %get3A_34 = tpu.vector_load %arg7[%get3A_33] {strides = array<i32>} : memref<16384xf32, #tpu.memory_space<vmem>>, vector<16xf32>,
        %get3A_35 = vector.shape_cast %get3A_34 : vector<16xf32> to vector<16xf32>
        %lt3A = arith.constant 1.000000e-01 : f32
        %lt3A_36 = vector.broadcast %lt3A : f32 to vector<16xf32>
        %lt3A_37 = arith.cmpf olt, %get3A_35, %lt3A_36 : vector<16xf32>
        %select_n3A = arith.select %lt3A_37, %get3A_6, %get3A_32 : vector<16xi1>, vector<16xf32>
        %gt3A = arith.constant 0.899999976 : f32
        %gt3A_38 = vector.broadcast %gt3A : f32 to vector<16xf32>
        %gt3A_39 = arith.cmpf ogt, %get3A_35, %gt3A_38 : vector<16xf32>
        %select_n3A_40 = arith.select %gt3A_39, %get3A_11, %select_n3A : vector<16xi1>, vector<16xf32>
        %swap3A = arith.index_cast %mul3A_29 : i32 to index
        %swap3A_41 = tpu.vector_load %arg6[%swap3A] {strides = array<i32>} : memref<16384xf32, #tpu.memory_space<vmem>>, vector<16xf32>,
        %swap3A_42 = vector.shape_cast %swap3A_41 : vector<16xf32> to vector<16xf32>
        %swap3A_43 = vector.shape_cast %select_n3A_40 : vector<16xf32> to vector<16xf32>
        tpu.vector_store %arg6[%swap3A], %swap3A_43 {strides = array<i32>} : memref<16384xf32, #tpu.memory_space<vmem>>, vector<16xf32>,
        %scan3A_44 = arith.constant 1 : i32
        %scan3A_45 = arith.addi %scan3A_27, %scan3A_44 : i32
        %mul3A_46 = arith.constant 16 : i32
        %mul3A_47 = arith.muli %scan3A_45, %mul3A_46 : i32
        %get3A_48 = arith.index_cast %mul3A_47 : i32 to index
        %get3A_49 = tpu.vector_load %arg6[%get3A_48] {strides = array<i32>} : memref<16384xf32, #tpu.memory_space<vmem>>, vector<16xf32>,
        %get3A_50 = vector.shape_cast %get3A_49 : vector<16xf32> to vector<16xf32>
        %get3A_51 = arith.index_cast %mul3A_47 : i32 to index
        %get3A_52 = tpu.vector_load %arg7[%get3A_51] {strides = array<i32>} : memref<16384xf32, #tpu.memory_space<vmem>>, vector<16xf32>,
        %get3A_53 = vector.shape_cast %get3A_52 : vector<16xf32> to vector<16xf32>
        %lt3A_54 = arith.constant 1.000000e-01 : f32
        %lt3A_55 = vector.broadcast %lt3A_54 : f32 to vector<16xf32>
        %lt3A_56 = arith.cmpf olt, %get3A_53, %lt3A_55 : vector<16xf32>
        %select_n3A_57 = arith.select %lt3A_56, %get3A_6, %get3A_50 : vector<16xi1>, vector<16xf32>
        %gt3A_58 = arith.constant 0.899999976 : f32
        %gt3A_59 = vector.broadcast %gt3A_58 : f32 to vector<16xf32>
        %gt3A_60 = arith.cmpf ogt, %get3A_53, %gt3A_59 : vector<16xf32>
        %select_n3A_61 = arith.select %gt3A_60, %get3A_11, %select_n3A_57 : vector<16xi1>, vector<16xf32>
        %swap3A_62 = arith.index_cast %mul3A_47 : i32 to index
        %swap3A_63 = tpu.vector_load %arg6[%swap3A_62] {strides = array<i32>} : memref<16384xf32, #tpu.memory_space<vmem>>, vector<16xf32>,
        %swap3A_64 = vector.shape_cast %swap3A_63 : vector<16xf32> to vector<16xf32>
        %swap3A_65 = vector.shape_cast %select_n3A_61 : vector<16xf32> to vector<16xf32>
        tpu.vector_store %arg6[%swap3A_62], %swap3A_65 {strides = array<i32>} : memref<16384xf32, #tpu.memory_space<vmem>>, vector<16xf32>,
        %scan3A_66 = arith.constant 2 : i32
        %scan3A_67 = arith.addi %scan3A_27, %scan3A_66 : i32
        %mul3A_68 = arith.constant 16 : i32
        %mul3A_69 = arith.muli %scan3A_67, %mul3A_68 : i32
        %get3A_70 = arith.index_cast %mul3A_69 : i32 to index
        %get3A_71 = tpu.vector_load %arg6[%get3A_70] {strides = array<i32>} : memref<16384xf32, #tpu.memory_space<vmem>>, vector<16xf32>,
        %get3A_72 = vector.shape_cast %get3A_71 : vector<16xf32> to vector<16xf32>
        %get3A_73 = arith.index_cast %mul3A_69 : i32 to index
        %get3A_74 = tpu.vector_load %arg7[%get3A_73] {strides = array<i32>} : memref<16384xf32, #tpu.memory_space<vmem>>, vector<16xf32>,
        %get3A_75 = vector.shape_cast %get3A_74 : vector<16xf32> to vector<16xf32>
        %lt3A_76 = arith.constant 1.000000e-01 : f32
        %lt3A_77 = vector.broadcast %lt3A_76 : f32 to vector<16xf32>
        %lt3A_78 = arith.cmpf olt, %get3A_75, %lt3A_77 : vector<16xf32>
        %select_n3A_79 = arith.select %lt3A_78, %get3A_6, %get3A_72 : vector<16xi1>, vector<16xf32>
        %gt3A_80 = arith.constant 0.899999976 : f32
        %gt3A_81 = vector.broadcast %gt3A_80 : f32 to vector<16xf32>
        %gt3A_82 = arith.cmpf ogt, %get3A_75, %gt3A_81 : vector<16xf32>
        %select_n3A_83 = arith.select %gt3A_82, %get3A_11, %select_n3A_79 : vector<16xi1>, vector<16xf32>
        %swap3A_84 = arith.index_cast %mul3A_69 : i32 to index
        %swap3A_85 = tpu.vector_load %arg6[%swap3A_84] {strides = array<i32>} : memref<16384xf32, #tpu.memory_space<vmem>>, vector<16xf32>,
        %swap3A_86 = vector.shape_cast %swap3A_85 : vector<16xf32> to vector<16xf32>
        %swap3A_87 = vector.shape_cast %select_n3A_83 : vector<16xf32> to vector<16xf32>
        tpu.vector_store %arg6[%swap3A_84], %swap3A_87 {strides = array<i32>} : memref<16384xf32, #tpu.memory_space<vmem>>, vector<16xf32>,
        %scan3A_88 = arith.constant 3 : i32
        %scan3A_89 = arith.addi %scan3A_27, %scan3A_88 : i32
        %mul3A_90 = arith.constant 16 : i32
        %mul3A_91 = arith.muli %scan3A_89, %mul3A_90 : i32
        %get3A_92 = arith.index_cast %mul3A_91 : i32 to index
        %get3A_93 = tpu.vector_load %arg6[%get3A_92] {strides = array<i32>} : memref<16384xf32, #tpu.memory_space<vmem>>, vector<16xf32>,
        %get3A_94 = vector.shape_cast %get3A_93 : vector<16xf32> to vector<16xf32>
        %get3A_95 = arith.index_cast %mul3A_91 : i32 to index
        %get3A_96 = tpu.vector_load %arg7[%get3A_95] {strides = array<i32>} : memref<16384xf32, #tpu.memory_space<vmem>>, vector<16xf32>,
        %get3A_97 = vector.shape_cast %get3A_96 : vector<16xf32> to vector<16xf32>
        %lt3A_98 = arith.constant 1.000000e-01 : f32
        %lt3A_99 = vector.broadcast %lt3A_98 : f32 to vector<16xf32>
        %lt3A_100 = arith.cmpf olt, %get3A_97, %lt3A_99 : vector<16xf32>
        %select_n3A_101 = arith.select %lt3A_100, %get3A_6, %get3A_94 : vector<16xi1>, vector<16xf32>
        %gt3A_102 = arith.constant 0.899999976 : f32
        %gt3A_103 = vector.broadcast %gt3A_102 : f32 to vector<16xf32>
        %gt3A_104 = arith.cmpf ogt, %get3A_97, %gt3A_103 : vector<16xf32>
        %select_n3A_105 = arith.select %gt3A_104, %get3A_11, %select_n3A_101 : vector<16xi1>, vector<16xf32>
        %swap3A_106 = arith.index_cast %mul3A_91 : i32 to index
        %swap3A_107 = tpu.vector_load %arg6[%swap3A_106] {strides = array<i32>} : memref<16384xf32, #tpu.memory_space<vmem>>, vector<16xf32>,
        %swap3A_108 = vector.shape_cast %swap3A_107 : vector<16xf32> to vector<16xf32>
        %swap3A_109 = vector.shape_cast %select_n3A_105 : vector<16xf32> to vector<16xf32>
        tpu.vector_store %arg6[%swap3A_106], %swap3A_109 {strides = array<i32>} : memref<16384xf32, #tpu.memory_space<vmem>>, vector<16xf32>,
        %scan3A_110 = arith.constant 4 : i32
        %scan3A_111 = arith.addi %scan3A_27, %scan3A_110 : i32
        %mul3A_112 = arith.constant 16 : i32
        %mul3A_113 = arith.muli %scan3A_111, %mul3A_112 : i32
        %get3A_114 = arith.index_cast %mul3A_113 : i32 to index
        %get3A_115 = tpu.vector_load %arg6[%get3A_114] {strides = array<i32>} : memref<16384xf32, #tpu.memory_space<vmem>>, vector<16xf32>,
        %get3A_116 = vector.shape_cast %get3A_115 : vector<16xf32> to vector<16xf32>
        %get3A_117 = arith.index_cast %mul3A_113 : i32 to index
        %get3A_118 = tpu.vector_load %arg7[%get3A_117] {strides = array<i32>} : memref<16384xf32, #tpu.memory_space<vmem>>, vector<16xf32>,
        %get3A_119 = vector.shape_cast %get3A_118 : vector<16xf32> to vector<16xf32>
        %lt3A_120 = arith.constant 1.000000e-01 : f32
        %lt3A_121 = vector.broadcast %lt3A_120 : f32 to vector<16xf32>
        %lt3A_122 = arith.cmpf olt, %get3A_119, %lt3A_121 : vector<16xf32>
        %select_n3A_123 = arith.select %lt3A_122, %get3A_6, %get3A_116 : vector<16xi1>, vector<16xf32>
        %gt3A_124 = arith.constant 0.899999976 : f32
        %gt3A_125 = vector.broadcast %gt3A_124 : f32 to vector<16xf32>
        %gt3A_126 = arith.cmpf ogt, %get3A_119, %gt3A_125 : vector<16xf32>
        %select_n3A_127 = arith.select %gt3A_126, %get3A_11, %select_n3A_123 : vector<16xi1>, vector<16xf32>
        %swap3A_128 = arith.index_cast %mul3A_113 : i32 to index
        %swap3A_129 = tpu.vector_load %arg6[%swap3A_128] {strides = array<i32>} : memref<16384xf32, #tpu.memory_space<vmem>>, vector<16xf32>,
        %swap3A_130 = vector.shape_cast %swap3A_129 : vector<16xf32> to vector<16xf32>
        %swap3A_131 = vector.shape_cast %select_n3A_127 : vector<16xf32> to vector<16xf32>
        tpu.vector_store %arg6[%swap3A_128], %swap3A_131 {strides = array<i32>} : memref<16384xf32, #tpu.memory_space<vmem>>, vector<16xf32>,
        %scan3A_132 = arith.constant 5 : i32
        %scan3A_133 = arith.addi %scan3A_27, %scan3A_132 : i32
        %mul3A_134 = arith.constant 16 : i32
        %mul3A_135 = arith.muli %scan3A_133, %mul3A_134 : i32
        %get3A_136 = arith.index_cast %mul3A_135 : i32 to index
        %get3A_137 = tpu.vector_load %arg6[%get3A_136] {strides = array<i32>} : memref<16384xf32, #tpu.memory_space<vmem>>, vector<16xf32>,
        %get3A_138 = vector.shape_cast %get3A_137 : vector<16xf32> to vector<16xf32>
        %get3A_139 = arith.index_cast %mul3A_135 : i32 to index
        %get3A_140 = tpu.vector_load %arg7[%get3A_139] {strides = array<i32>} : memref<16384xf32, #tpu.memory_space<vmem>>, vector<16xf32>,
        %get3A_141 = vector.shape_cast %get3A_140 : vector<16xf32> to vector<16xf32>
        %lt3A_142 = arith.constant 1.000000e-01 : f32
        %lt3A_143 = vector.broadcast %lt3A_142 : f32 to vector<16xf32>
        %lt3A_144 = arith.cmpf olt, %get3A_141, %lt3A_143 : vector<16xf32>
        %select_n3A_145 = arith.select %lt3A_144, %get3A_6, %get3A_138 : vector<16xi1>, vector<16xf32>
        %gt3A_146 = arith.constant 0.899999976 : f32
        %gt3A_147 = vector.broadcast %gt3A_146 : f32 to vector<16xf32>
        %gt3A_148 = arith.cmpf ogt, %get3A_141, %gt3A_147 : vector<16xf32>
        %select_n3A_149 = arith.select %gt3A_148, %get3A_11, %select_n3A_145 : vector<16xi1>, vector<16xf32>
        %swap3A_150 = arith.index_cast %mul3A_135 : i32 to index
        %swap3A_151 = tpu.vector_load %arg6[%swap3A_150] {strides = array<i32>} : memref<16384xf32, #tpu.memory_space<vmem>>, vector<16xf32>,
        %swap3A_152 = vector.shape_cast %swap3A_151 : vector<16xf32> to vector<16xf32>
        %swap3A_153 = vector.shape_cast %select_n3A_149 : vector<16xf32> to vector<16xf32>
        tpu.vector_store %arg6[%swap3A_150], %swap3A_153 {strides = array<i32>} : memref<16384xf32, #tpu.memory_space<vmem>>, vector<16xf32>,
        %scan3A_154 = arith.constant 6 : i32
        %scan3A_155 = arith.addi %scan3A_27, %scan3A_154 : i32
        %mul3A_156 = arith.constant 16 : i32
        %mul3A_157 = arith.muli %scan3A_155, %mul3A_156 : i32
        %get3A_158 = arith.index_cast %mul3A_157 : i32 to index
        %get3A_159 = tpu.vector_load %arg6[%get3A_158] {strides = array<i32>} : memref<16384xf32, #tpu.memory_space<vmem>>, vector<16xf32>,
        %get3A_160 = vector.shape_cast %get3A_159 : vector<16xf32> to vector<16xf32>
        %get3A_161 = arith.index_cast %mul3A_157 : i32 to index
        %get3A_162 = tpu.vector_load %arg7[%get3A_161] {strides = array<i32>} : memref<16384xf32, #tpu.memory_space<vmem>>, vector<16xf32>,
        %get3A_163 = vector.shape_cast %get3A_162 : vector<16xf32> to vector<16xf32>
        %lt3A_164 = arith.constant 1.000000e-01 : f32
        %lt3A_165 = vector.broadcast %lt3A_164 : f32 to vector<16xf32>
        %lt3A_166 = arith.cmpf olt, %get3A_163, %lt3A_165 : vector<16xf32>
        %select_n3A_167 = arith.select %lt3A_166, %get3A_6, %get3A_160 : vector<16xi1>, vector<16xf32>
        %gt3A_168 = arith.constant 0.899999976 : f32
        %gt3A_169 = vector.broadcast %gt3A_168 : f32 to vector<16xf32>
        %gt3A_170 = arith.cmpf ogt, %get3A_163, %gt3A_169 : vector<16xf32>
        %select_n3A_171 = arith.select %gt3A_170, %get3A_11, %select_n3A_167 : vector<16xi1>, vector<16xf32>
        %swap3A_172 = arith.index_cast %mul3A_157 : i32 to index
        %swap3A_173 = tpu.vector_load %arg6[%swap3A_172] {strides = array<i32>} : memref<16384xf32, #tpu.memory_space<vmem>>, vector<16xf32>,
        %swap3A_174 = vector.shape_cast %swap3A_173 : vector<16xf32> to vector<16xf32>
        %swap3A_175 = vector.shape_cast %select_n3A_171 : vector<16xf32> to vector<16xf32>
        tpu.vector_store %arg6[%swap3A_172], %swap3A_175 {strides = array<i32>} : memref<16384xf32, #tpu.memory_space<vmem>>, vector<16xf32>,
        %scan3A_176 = arith.constant 7 : i32
        %scan3A_177 = arith.addi %scan3A_27, %scan3A_176 : i32
        %mul3A_178 = arith.constant 16 : i32
        %mul3A_179 = arith.muli %scan3A_177, %mul3A_178 : i32
        %get3A_180 = arith.index_cast %mul3A_179 : i32 to index
        %get3A_181 = tpu.vector_load %arg6[%get3A_180] {strides = array<i32>} : memref<16384xf32, #tpu.memory_space<vmem>>, vector<16xf32>,
        %get3A_182 = vector.shape_cast %get3A_181 : vector<16xf32> to vector<16xf32>
        %get3A_183 = arith.index_cast %mul3A_179 : i32 to index
        %get3A_184 = tpu.vector_load %arg7[%get3A_183] {strides = array<i32>} : memref<16384xf32, #tpu.memory_space<vmem>>, vector<16xf32>,
        %get3A_185 = vector.shape_cast %get3A_184 : vector<16xf32> to vector<16xf32>
        %lt3A_186 = arith.constant 1.000000e-01 : f32
        %lt3A_187 = vector.broadcast %lt3A_186 : f32 to vector<16xf32>
        %lt3A_188 = arith.cmpf olt, %get3A_185, %lt3A_187 : vector<16xf32>
        %select_n3A_189 = arith.select %lt3A_188, %get3A_6, %get3A_182 : vector<16xi1>, vector<16xf32>
        %gt3A_190 = arith.constant 0.899999976 : f32
        %gt3A_191 = vector.broadcast %gt3A_190 : f32 to vector<16xf32>
        %gt3A_192 = arith.cmpf ogt, %get3A_185, %gt3A_191 : vector<16xf32>
        %select_n3A_193 = arith.select %gt3A_192, %get3A_11, %select_n3A_189 : vector<16xi1>, vector<16xf32>
        %swap3A_194 = arith.index_cast %mul3A_179 : i32 to index
        %swap3A_195 = tpu.vector_load %arg6[%swap3A_194] {strides = array<i32>} : memref<16384xf32, #tpu.memory_space<vmem>>, vector<16xf32>,
        %swap3A_196 = vector.shape_cast %swap3A_195 : vector<16xf32> to vector<16xf32>
        %swap3A_197 = vector.shape_cast %select_n3A_193 : vector<16xf32> to vector<16xf32>
        tpu.vector_store %arg6[%swap3A_194], %swap3A_197 {strides = array<i32>} : memref<16384xf32, #tpu.memory_space<vmem>>, vector<16xf32>,
        %scan3A_198 = arith.constant 8 : i32
        %scan3A_199 = arith.addi %scan3A_27, %scan3A_198 : i32
        %mul3A_200 = arith.constant 16 : i32
        %mul3A_201 = arith.muli %scan3A_199, %mul3A_200 : i32
        %get3A_202 = arith.index_cast %mul3A_201 : i32 to index
        %get3A_203 = tpu.vector_load %arg6[%get3A_202] {strides = array<i32>} : memref<16384xf32, #tpu.memory_space<vmem>>, vector<16xf32>,
        %get3A_204 = vector.shape_cast %get3A_203 : vector<16xf32> to vector<16xf32>
        %get3A_205 = arith.index_cast %mul3A_201 : i32 to index
        %get3A_206 = tpu.vector_load %arg7[%get3A_205] {strides = array<i32>} : memref<16384xf32, #tpu.memory_space<vmem>>, vector<16xf32>,
        %get3A_207 = vector.shape_cast %get3A_206 : vector<16xf32> to vector<16xf32>
        %lt3A_208 = arith.constant 1.000000e-01 : f32
        %lt3A_209 = vector.broadcast %lt3A_208 : f32 to vector<16xf32>
        %lt3A_210 = arith.cmpf olt, %get3A_207, %lt3A_209 : vector<16xf32>
        %select_n3A_211 = arith.select %lt3A_210, %get3A_6, %get3A_204 : vector<16xi1>, vector<16xf32>
        %gt3A_212 = arith.constant 0.899999976 : f32
        %gt3A_213 = vector.broadcast %gt3A_212 : f32 to vector<16xf32>
        %gt3A_214 = arith.cmpf ogt, %get3A_207, %gt3A_213 : vector<16xf32>
        %select_n3A_215 = arith.select %gt3A_214, %get3A_11, %select_n3A_211 : vector<16xi1>, vector<16xf32>
        %swap3A_216 = arith.index_cast %mul3A_201 : i32 to index
        %swap3A_217 = tpu.vector_load %arg6[%swap3A_216] {strides = array<i32>} : memref<16384xf32, #tpu.memory_space<vmem>>, vector<16xf32>,
        %swap3A_218 = vector.shape_cast %swap3A_217 : vector<16xf32> to vector<16xf32>
        %swap3A_219 = vector.shape_cast %select_n3A_215 : vector<16xf32> to vector<16xf32>
        tpu.vector_store %arg6[%swap3A_216], %swap3A_219 {strides = array<i32>} : memref<16384xf32, #tpu.memory_space<vmem>>, vector<16xf32>,
        %scan3A_220 = arith.constant 9 : i32
        %scan3A_221 = arith.addi %scan3A_27, %scan3A_220 : i32
        %mul3A_222 = arith.constant 16 : i32
        %mul3A_223 = arith.muli %scan3A_221, %mul3A_222 : i32
        %get3A_224 = arith.index_cast %mul3A_223 : i32 to index
        %get3A_225 = tpu.vector_load %arg6[%get3A_224] {strides = array<i32>} : memref<16384xf32, #tpu.memory_space<vmem>>, vector<16xf32>,
        %get3A_226 = vector.shape_cast %get3A_225 : vector<16xf32> to vector<16xf32>
        %get3A_227 = arith.index_cast %mul3A_223 : i32 to index
        %get3A_228 = tpu.vector_load %arg7[%get3A_227] {strides = array<i32>} : memref<16384xf32, #tpu.memory_space<vmem>>, vector<16xf32>,
        %get3A_229 = vector.shape_cast %get3A_228 : vector<16xf32> to vector<16xf32>
        %lt3A_230 = arith.constant 1.000000e-01 : f32
        %lt3A_231 = vector.broadcast %lt3A_230 : f32 to vector<16xf32>
        %lt3A_232 = arith.cmpf olt, %get3A_229, %lt3A_231 : vector<16xf32>
        %select_n3A_233 = arith.select %lt3A_232, %get3A_6, %get3A_226 : vector<16xi1>, vector<16xf32>
        %gt3A_234 = arith.constant 0.899999976 : f32
        %gt3A_235 = vector.broadcast %gt3A_234 : f32 to vector<16xf32>
        %gt3A_236 = arith.cmpf ogt, %get3A_229, %gt3A_235 : vector<16xf32>
        %select_n3A_237 = arith.select %gt3A_236, %get3A_11, %select_n3A_233 : vector<16xi1>, vector<16xf32>
        %swap3A_238 = arith.index_cast %mul3A_223 : i32 to index
        %swap3A_239 = tpu.vector_load %arg6[%swap3A_238] {strides = array<i32>} : memref<16384xf32, #tpu.memory_space<vmem>>, vector<16xf32>,
        %swap3A_240 = vector.shape_cast %swap3A_239 : vector<16xf32> to vector<16xf32>
        %swap3A_241 = vector.shape_cast %select_n3A_237 : vector<16xf32> to vector<16xf32>
        tpu.vector_store %arg6[%swap3A_238], %swap3A_241 {strides = array<i32>} : memref<16384xf32, #tpu.memory_space<vmem>>, vector<16xf32>,
        %scan3A_242 = arith.constant 10 : i32
        %scan3A_243 = arith.addi %scan3A_27, %scan3A_242 : i32
        %mul3A_244 = arith.constant 16 : i32
        %mul3A_245 = arith.muli %scan3A_243, %mul3A_244 : i32
        %get3A_246 = arith.index_cast %mul3A_245 : i32 to index
        %get3A_247 = tpu.vector_load %arg6[%get3A_246] {strides = array<i32>} : memref<16384xf32, #tpu.memory_space<vmem>>, vector<16xf32>,
        %get3A_248 = vector.shape_cast %get3A_247 : vector<16xf32> to vector<16xf32>
        %get3A_249 = arith.index_cast %mul3A_245 : i32 to index
        %get3A_250 = tpu.vector_load %arg7[%get3A_249] {strides = array<i32>} : memref<16384xf32, #tpu.memory_space<vmem>>, vector<16xf32>,
        %get3A_251 = vector.shape_cast %get3A_250 : vector<16xf32> to vector<16xf32>
        %lt3A_252 = arith.constant 1.000000e-01 : f32
        %lt3A_253 = vector.broadcast %lt3A_252 : f32 to vector<16xf32>
        %lt3A_254 = arith.cmpf olt, %get3A_251, %lt3A_253 : vector<16xf32>
        %select_n3A_255 = arith.select %lt3A_254, %get3A_6, %get3A_248 : vector<16xi1>, vector<16xf32>
        %gt3A_256 = arith.constant 0.899999976 : f32
        %gt3A_257 = vector.broadcast %gt3A_256 : f32 to vector<16xf32>
        %gt3A_258 = arith.cmpf ogt, %get3A_251, %gt3A_257 : vector<16xf32>
        %select_n3A_259 = arith.select %gt3A_258, %get3A_11, %select_n3A_255 : vector<16xi1>, vector<16xf32>
        %swap3A_260 = arith.index_cast %mul3A_245 : i32 to index
        %swap3A_261 = tpu.vector_load %arg6[%swap3A_260] {strides = array<i32>} : memref<16384xf32, #tpu.memory_space<vmem>>, vector<16xf32>,
        %swap3A_262 = vector.shape_cast %swap3A_261 : vector<16xf32> to vector<16xf32>
        %swap3A_263 = vector.shape_cast %select_n3A_259 : vector<16xf32> to vector<16xf32>
        tpu.vector_store %arg6[%swap3A_260], %swap3A_263 {strides = array<i32>} : memref<16384xf32, #tpu.memory_space<vmem>>, vector<16xf32>,
        %scan3A_264 = arith.constant 11 : i32
        %scan3A_265 = arith.addi %scan3A_27, %scan3A_264 : i32
        %mul3A_266 = arith.constant 16 : i32
        %mul3A_267 = arith.muli %scan3A_265, %mul3A_266 : i32
        %get3A_268 = arith.index_cast %mul3A_267 : i32 to index
        %get3A_269 = tpu.vector_load %arg6[%get3A_268] {strides = array<i32>} : memref<16384xf32, #tpu.memory_space<vmem>>, vector<16xf32>,
        %get3A_270 = vector.shape_cast %get3A_269 : vector<16xf32> to vector<16xf32>
        %get3A_271 = arith.index_cast %mul3A_267 : i32 to index
        %get3A_272 = tpu.vector_load %arg7[%get3A_271] {strides = array<i32>} : memref<16384xf32, #tpu.memory_space<vmem>>, vector<16xf32>,
        %get3A_273 = vector.shape_cast %get3A_272 : vector<16xf32> to vector<16xf32>
        %lt3A_274 = arith.constant 1.000000e-01 : f32
        %lt3A_275 = vector.broadcast %lt3A_274 : f32 to vector<16xf32>
        %lt3A_276 = arith.cmpf olt, %get3A_273, %lt3A_275 : vector<16xf32>
        %select_n3A_277 = arith.select %lt3A_276, %get3A_6, %get3A_270 : vector<16xi1>, vector<16xf32>
        %gt3A_278 = arith.constant 0.899999976 : f32
        %gt3A_279 = vector.broadcast %gt3A_278 : f32 to vector<16xf32>
        %gt3A_280 = arith.cmpf ogt, %get3A_273, %gt3A_279 : vector<16xf32>
        %select_n3A_281 = arith.select %gt3A_280, %get3A_11, %select_n3A_277 : vector<16xi1>, vector<16xf32>
        %swap3A_282 = arith.index_cast %mul3A_267 : i32 to index
        %swap3A_283 = tpu.vector_load %arg6[%swap3A_282] {strides = array<i32>} : memref<16384xf32, #tpu.memory_space<vmem>>, vector<16xf32>,
        %swap3A_284 = vector.shape_cast %swap3A_283 : vector<16xf32> to vector<16xf32>
        %swap3A_285 = vector.shape_cast %select_n3A_281 : vector<16xf32> to vector<16xf32>
        tpu.vector_store %arg6[%swap3A_282], %swap3A_285 {strides = array<i32>} : memref<16384xf32, #tpu.memory_space<vmem>>, vector<16xf32>,
        %scan3A_286 = arith.constant 12 : i32
        %scan3A_287 = arith.addi %scan3A_27, %scan3A_286 : i32
        %mul3A_288 = arith.constant 16 : i32
        %mul3A_289 = arith.muli %scan3A_287, %mul3A_288 : i32
        %get3A_290 = arith.index_cast %mul3A_289 : i32 to index
        %get3A_291 = tpu.vector_load %arg6[%get3A_290] {strides = array<i32>} : memref<16384xf32, #tpu.memory_space<vmem>>, vector<16xf32>,
        %get3A_292 = vector.shape_cast %get3A_291 : vector<16xf32> to vector<16xf32>
        %get3A_293 = arith.index_cast %mul3A_289 : i32 to index
        %get3A_294 = tpu.vector_load %arg7[%get3A_293] {strides = array<i32>} : memref<16384xf32, #tpu.memory_space<vmem>>, vector<16xf32>,
        %get3A_295 = vector.shape_cast %get3A_294 : vector<16xf32> to vector<16xf32>
        %lt3A_296 = arith.constant 1.000000e-01 : f32
        %lt3A_297 = vector.broadcast %lt3A_296 : f32 to vector<16xf32>
        %lt3A_298 = arith.cmpf olt, %get3A_295, %lt3A_297 : vector<16xf32>
        %select_n3A_299 = arith.select %lt3A_298, %get3A_6, %get3A_292 : vector<16xi1>, vector<16xf32>
        %gt3A_300 = arith.constant 0.899999976 : f32
        %gt3A_301 = vector.broadcast %gt3A_300 : f32 to vector<16xf32>
        %gt3A_302 = arith.cmpf ogt, %get3A_295, %gt3A_301 : vector<16xf32>
        %select_n3A_303 = arith.select %gt3A_302, %get3A_11, %select_n3A_299 : vector<16xi1>, vector<16xf32>
        %swap3A_304 = arith.index_cast %mul3A_289 : i32 to index
        %swap3A_305 = tpu.vector_load %arg6[%swap3A_304] {strides = array<i32>} : memref<16384xf32, #tpu.memory_space<vmem>>, vector<16xf32>,
        %swap3A_306 = vector.shape_cast %swap3A_305 : vector<16xf32> to vector<16xf32>
        %swap3A_307 = vector.shape_cast %select_n3A_303 : vector<16xf32> to vector<16xf32>
        tpu.vector_store %arg6[%swap3A_304], %swap3A_307 {strides = array<i32>} : memref<16384xf32, #tpu.memory_space<vmem>>, vector<16xf32>,
        %scan3A_308 = arith.constant 13 : i32
        %scan3A_309 = arith.addi %scan3A_27, %scan3A_308 : i32
        %mul3A_310 = arith.constant 16 : i32
        %mul3A_311 = arith.muli %scan3A_309, %mul3A_310 : i32
        %get3A_312 = arith.index_cast %mul3A_311 : i32 to index
        %get3A_313 = tpu.vector_load %arg6[%get3A_312] {strides = array<i32>} : memref<16384xf32, #tpu.memory_space<vmem>>, vector<16xf32>,
        %get3A_314 = vector.shape_cast %get3A_313 : vector<16xf32> to vector<16xf32>
        %get3A_315 = arith.index_cast %mul3A_311 : i32 to index
        %get3A_316 = tpu.vector_load %arg7[%get3A_315] {strides = array<i32>} : memref<16384xf32, #tpu.memory_space<vmem>>, vector<16xf32>,
        %get3A_317 = vector.shape_cast %get3A_316 : vector<16xf32> to vector<16xf32>
        %lt3A_318 = arith.constant 1.000000e-01 : f32
        %lt3A_319 = vector.broadcast %lt3A_318 : f32 to vector<16xf32>
        %lt3A_320 = arith.cmpf olt, %get3A_317, %lt3A_319 : vector<16xf32>
        %select_n3A_321 = arith.select %lt3A_320, %get3A_6, %get3A_314 : vector<16xi1>, vector<16xf32>
        %gt3A_322 = arith.constant 0.899999976 : f32
        %gt3A_323 = vector.broadcast %gt3A_322 : f32 to vector<16xf32>
        %gt3A_324 = arith.cmpf ogt, %get3A_317, %gt3A_323 : vector<16xf32>
        %select_n3A_325 = arith.select %gt3A_324, %get3A_11, %select_n3A_321 : vector<16xi1>, vector<16xf32>
        %swap3A_326 = arith.index_cast %mul3A_311 : i32 to index
        %swap3A_327 = tpu.vector_load %arg6[%swap3A_326] {strides = array<i32>} : memref<16384xf32, #tpu.memory_space<vmem>>, vector<16xf32>,
        %swap3A_328 = vector.shape_cast %swap3A_327 : vector<16xf32> to vector<16xf32>
        %swap3A_329 = vector.shape_cast %select_n3A_325 : vector<16xf32> to vector<16xf32>
        tpu.vector_store %arg6[%swap3A_326], %swap3A_329 {strides = array<i32>} : memref<16384xf32, #tpu.memory_space<vmem>>, vector<16xf32>,
        %scan3A_330 = arith.constant 14 : i32
        %scan3A_331 = arith.addi %scan3A_27, %scan3A_330 : i32
        %mul3A_332 = arith.constant 16 : i32
        %mul3A_333 = arith.muli %scan3A_331, %mul3A_332 : i32
        %get3A_334 = arith.index_cast %mul3A_333 : i32 to index
        %get3A_335 = tpu.vector_load %arg6[%get3A_334] {strides = array<i32>} : memref<16384xf32, #tpu.memory_space<vmem>>, vector<16xf32>,
        %get3A_336 = vector.shape_cast %get3A_335 : vector<16xf32> to vector<16xf32>
        %get3A_337 = arith.index_cast %mul3A_333 : i32 to index
        %get3A_338 = tpu.vector_load %arg7[%get3A_337] {strides = array<i32>} : memref<16384xf32, #tpu.memory_space<vmem>>, vector<16xf32>,
        %get3A_339 = vector.shape_cast %get3A_338 : vector<16xf32> to vector<16xf32>
        %lt3A_340 = arith.constant 1.000000e-01 : f32
        %lt3A_341 = vector.broadcast %lt3A_340 : f32 to vector<16xf32>
        %lt3A_342 = arith.cmpf olt, %get3A_339, %lt3A_341 : vector<16xf32>
        %select_n3A_343 = arith.select %lt3A_342, %get3A_6, %get3A_336 : vector<16xi1>, vector<16xf32>
        %gt3A_344 = arith.constant 0.899999976 : f32
        %gt3A_345 = vector.broadcast %gt3A_344 : f32 to vector<16xf32>
        %gt3A_346 = arith.cmpf ogt, %get3A_339, %gt3A_345 : vector<16xf32>
        %select_n3A_347 = arith.select %gt3A_346, %get3A_11, %select_n3A_343 : vector<16xi1>, vector<16xf32>
        %swap3A_348 = arith.index_cast %mul3A_333 : i32 to index
        %swap3A_349 = tpu.vector_load %arg6[%swap3A_348] {strides = array<i32>} : memref<16384xf32, #tpu.memory_space<vmem>>, vector<16xf32>,
        %swap3A_350 = vector.shape_cast %swap3A_349 : vector<16xf32> to vector<16xf32>
        %swap3A_351 = vector.shape_cast %select_n3A_347 : vector<16xf32> to vector<16xf32>
        tpu.vector_store %arg6[%swap3A_348], %swap3A_351 {strides = array<i32>} : memref<16384xf32, #tpu.memory_space<vmem>>, vector<16xf32>,
        %scan3A_352 = arith.constant 15 : i32
        %scan3A_353 = arith.addi %scan3A_27, %scan3A_352 : i32
        %mul3A_354 = arith.constant 16 : i32
        %mul3A_355 = arith.muli %scan3A_353, %mul3A_354 : i32
        %get3A_356 = arith.index_cast %mul3A_355 : i32 to index
        %get3A_357 = tpu.vector_load %arg6[%get3A_356] {strides = array<i32>} : memref<16384xf32, #tpu.memory_space<vmem>>, vector<16xf32>,
        %get3A_358 = vector.shape_cast %get3A_357 : vector<16xf32> to vector<16xf32>
        %get3A_359 = arith.index_cast %mul3A_355 : i32 to index
        %get3A_360 = tpu.vector_load %arg7[%get3A_359] {strides = array<i32>} : memref<16384xf32, #tpu.memory_space<vmem>>, vector<16xf32>,
        %get3A_361 = vector.shape_cast %get3A_360 : vector<16xf32> to vector<16xf32>
        %lt3A_362 = arith.constant 1.000000e-01 : f32
        %lt3A_363 = vector.broadcast %lt3A_362 : f32 to vector<16xf32>
        %lt3A_364 = arith.cmpf olt, %get3A_361, %lt3A_363 : vector<16xf32>
        %select_n3A_365 = arith.select %lt3A_364, %get3A_6, %get3A_358 : vector<16xi1>, vector<16xf32>
        %gt3A_366 = arith.constant 0.899999976 : f32
        %gt3A_367 = vector.broadcast %gt3A_366 : f32 to vector<16xf32>
        %gt3A_368 = arith.cmpf ogt, %get3A_361, %gt3A_367 : vector<16xf32>
        %select_n3A_369 = arith.select %gt3A_368, %get3A_11, %select_n3A_365 : vector<16xi1>, vector<16xf32>
        %swap3A_370 = arith.index_cast %mul3A_355 : i32 to index
        %swap3A_371 = tpu.vector_load %arg6[%swap3A_370] {strides = array<i32>} : memref<16384xf32, #tpu.memory_space<vmem>>, vector<16xf32>,
        %swap3A_372 = vector.shape_cast %swap3A_371 : vector<16xf32> to vector<16xf32>
        %swap3A_373 = vector.shape_cast %select_n3A_369 : vector<16xf32> to vector<16xf32>
        tpu.vector_store %arg6[%swap3A_370], %swap3A_373 {strides = array<i32>} : memref<16384xf32, #tpu.memory_space<vmem>>, vector<16xf32>,
      }
      %scan3A_26 = arith.constant 1024 : i32
      "tpu.region"() ({
        %run_scoped3A = tpu.sem_alloc : memref<!tpu.dma_semaphore, #tpu.memory_space<semaphore_mem>>
        %dma_start3A = tpu.memref_slice %arg5[%add3A_20] : memref<28311552xf32, #tpu.memory_space<hbm>> -> memref<16384xf32, #tpu.memory_space<hbm>>
        %dma_start3A_27 = tpu.memref_slice %arg5[%add3A_20] : memref<28311552xf32, #tpu.memory_space<hbm>> -> memref<16384xf32, #tpu.memory_space<hbm>>
        tpu.enqueue_dma source(%arg6 : memref<16384xf32, #tpu.memory_space<vmem>>) target(%dma_start3A_27 : memref<16384xf32, #tpu.memory_space<hbm>>) target_semaphore(%run_scoped3A : memref<!tpu.dma_semaphore, #tpu.memory_space<semaphore_mem>>)
        %dma_wait3A = tpu.memref_slice %arg5[%add3A_20] : memref<28311552xf32, #tpu.memory_space<hbm>> -> memref<16384xf32, #tpu.memory_space<hbm>>
        %dma_wait3A_28 = tpu.memref_slice %arg5[%add3A_20] : memref<28311552xf32, #tpu.memory_space<hbm>> -> memref<16384xf32, #tpu.memory_space<hbm>>
        tpu.wait_dma2 semaphore(%run_scoped3A : memref<!tpu.dma_semaphore, #tpu.memory_space<semaphore_mem>>) src(%arg6 : memref<16384xf32, #tpu.memory_space<vmem>>) dst(%dma_wait3A_28 : memref<16384xf32, #tpu.memory_space<hbm>>)
        tpu.yield
      }) : () -> ()
    }
    %scan3A_16 = arith.constant 54 : i32
    return
  }
}

module attributes {stable_mosaic.version = 14 : i64} {
  func.func @_red_kernel(%arg0: i32, %arg1: memref<8192x384xf32, #tpu.memory_space<vmem>>, %arg2: memref<8x128xf32, #tpu.memory_space<vmem>>, %arg3: memref<8x384xf32, #tpu.memory_space<vmem>>, %arg4: memref<8x384xf32, #tpu.memory_space<vmem>>) attributes {dimension_semantics = [#tpu.dimension_semantics<arbitrary>], iteration_bounds = array<i64: 9>, scalar_prefetch = 0 : i64, scratch_operands = 2 : i64, tpu.core_type = #tpu.core_type<tc>, window_params = [{transform_indices = @transform_0, window_bounds = array<i64: 8192, 384>}, {pipeline_mode = #tpu.pipeline_mode<synchronous>, transform_indices = @transform_1, window_bounds = array<i64: 8, 128>}]} {
    %eq3A = arith.constant 0 : i32
    %eq3A_0 = arith.cmpi eq, %arg0, %eq3A : i32
    %convert_element_type3A = arith.extui %eq3A_0 : i1 to i32
    %cond3A = arith.constant 0 : i32
    %cond3A_1 = arith.cmpi ne, %convert_element_type3A, %cond3A : i32
    scf.if %cond3A_1 {
      %broadcast_in_dim3A = arith.constant 0x7F800000 : f32
      %broadcast_in_dim3A_352 = vector.broadcast %broadcast_in_dim3A : f32 to vector<8x384xf32>
      %swap3A_353 = arith.constant 0 : index
      %swap3A_354 = arith.constant 0 : index
      %swap3A_355 = vector.load %arg3[%swap3A_353, %swap3A_354] : memref<8x384xf32, #tpu.memory_space<vmem>>, vector<8x384xf32>
      tpu.vector_store %arg3[%swap3A_353, %swap3A_354], %broadcast_in_dim3A_352 {strides = array<i32>} : memref<8x384xf32, #tpu.memory_space<vmem>>, vector<8x384xf32>,
      %broadcast_in_dim3A_356 = arith.constant 0xFF800000 : f32
      %broadcast_in_dim3A_357 = vector.broadcast %broadcast_in_dim3A_356 : f32 to vector<8x384xf32>
      %swap3A_358 = arith.constant 0 : index
      %swap3A_359 = arith.constant 0 : index
      %swap3A_360 = vector.load %arg4[%swap3A_358, %swap3A_359] : memref<8x384xf32, #tpu.memory_space<vmem>>, vector<8x384xf32>
      tpu.vector_store %arg4[%swap3A_358, %swap3A_359], %broadcast_in_dim3A_357 {strides = array<i32>} : memref<8x384xf32, #tpu.memory_space<vmem>>, vector<8x384xf32>,
    } else {
    }
    %get3A = arith.constant 0 : index
    %get3A_2 = arith.constant 0 : index
    %get3A_3 = vector.load %arg1[%get3A, %get3A_2] : memref<8192x384xf32, #tpu.memory_space<vmem>>, vector<512x384xf32>
    %reshape3A = vector.shape_cast %get3A_3 : vector<512x384xf32> to vector<64x8x384xf32>
    %get3A_4 = arith.constant 0 : index
    %get3A_5 = arith.constant 0 : index
    %get3A_6 = vector.load %arg3[%get3A_4, %get3A_5] : memref<8x384xf32, #tpu.memory_space<vmem>>, vector<8x384xf32>
    %reduce_min3A = arith.constant dense<0x7F800000> : vector<8x384xf32>
    %reduce_min3A_7 = vector.multi_reduction <minimumf>, %reshape3A, %reduce_min3A [0] : vector<64x8x384xf32> to vector<8x384xf32>
    %min3A = arith.minimumf %get3A_6, %reduce_min3A_7 : vector<8x384xf32>
    %swap3A = arith.constant 0 : index
    %swap3A_8 = arith.constant 0 : index
    %swap3A_9 = vector.load %arg3[%swap3A, %swap3A_8] : memref<8x384xf32, #tpu.memory_space<vmem>>, vector<8x384xf32>
    tpu.vector_store %arg3[%swap3A, %swap3A_8], %min3A {strides = array<i32>} : memref<8x384xf32, #tpu.memory_space<vmem>>, vector<8x384xf32>,
    %get3A_10 = arith.constant 0 : index
    %get3A_11 = arith.constant 0 : index
    %get3A_12 = vector.load %arg4[%get3A_10, %get3A_11] : memref<8x384xf32, #tpu.memory_space<vmem>>, vector<8x384xf32>
    %reduce_max3A = arith.constant dense<0xFF800000> : vector<8x384xf32>
    %reduce_max3A_13 = vector.multi_reduction <maximumf>, %reshape3A, %reduce_max3A [0] : vector<64x8x384xf32> to vector<8x384xf32>
    %max3A = arith.maximumf %get3A_12, %reduce_max3A_13 : vector<8x384xf32>
    %swap3A_14 = arith.constant 0 : index
    %swap3A_15 = arith.constant 0 : index
    %swap3A_16 = vector.load %arg4[%swap3A_14, %swap3A_15] : memref<8x384xf32, #tpu.memory_space<vmem>>, vector<8x384xf32>
    tpu.vector_store %arg4[%swap3A_14, %swap3A_15], %max3A {strides = array<i32>} : memref<8x384xf32, #tpu.memory_space<vmem>>, vector<8x384xf32>,
    %get3A_17 = arith.constant 512 : index
    %get3A_18 = arith.constant 0 : index
    %get3A_19 = vector.load %arg1[%get3A_17, %get3A_18] : memref<8192x384xf32, #tpu.memory_space<vmem>>, vector<512x384xf32>
    %reshape3A_20 = vector.shape_cast %get3A_19 : vector<512x384xf32> to vector<64x8x384xf32>
    %get3A_21 = arith.constant 0 : index
    %get3A_22 = arith.constant 0 : index
    %get3A_23 = vector.load %arg3[%get3A_21, %get3A_22] : memref<8x384xf32, #tpu.memory_space<vmem>>, vector<8x384xf32>
    %reduce_min3A_24 = arith.constant dense<0x7F800000> : vector<8x384xf32>
    %reduce_min3A_25 = vector.multi_reduction <minimumf>, %reshape3A_20, %reduce_min3A_24 [0] : vector<64x8x384xf32> to vector<8x384xf32>
    %min3A_26 = arith.minimumf %get3A_23, %reduce_min3A_25 : vector<8x384xf32>
    %swap3A_27 = arith.constant 0 : index
    %swap3A_28 = arith.constant 0 : index
    %swap3A_29 = vector.load %arg3[%swap3A_27, %swap3A_28] : memref<8x384xf32, #tpu.memory_space<vmem>>, vector<8x384xf32>
    tpu.vector_store %arg3[%swap3A_27, %swap3A_28], %min3A_26 {strides = array<i32>} : memref<8x384xf32, #tpu.memory_space<vmem>>, vector<8x384xf32>,
    %get3A_30 = arith.constant 0 : index
    %get3A_31 = arith.constant 0 : index
    %get3A_32 = vector.load %arg4[%get3A_30, %get3A_31] : memref<8x384xf32, #tpu.memory_space<vmem>>, vector<8x384xf32>
    %reduce_max3A_33 = arith.constant dense<0xFF800000> : vector<8x384xf32>
    %reduce_max3A_34 = vector.multi_reduction <maximumf>, %reshape3A_20, %reduce_max3A_33 [0] : vector<64x8x384xf32> to vector<8x384xf32>
    %max3A_35 = arith.maximumf %get3A_32, %reduce_max3A_34 : vector<8x384xf32>
    %swap3A_36 = arith.constant 0 : index
    %swap3A_37 = arith.constant 0 : index
    %swap3A_38 = vector.load %arg4[%swap3A_36, %swap3A_37] : memref<8x384xf32, #tpu.memory_space<vmem>>, vector<8x384xf32>
    tpu.vector_store %arg4[%swap3A_36, %swap3A_37], %max3A_35 {strides = array<i32>} : memref<8x384xf32, #tpu.memory_space<vmem>>, vector<8x384xf32>,
    %get3A_39 = arith.constant 1024 : index
    %get3A_40 = arith.constant 0 : index
    %get3A_41 = vector.load %arg1[%get3A_39, %get3A_40] : memref<8192x384xf32, #tpu.memory_space<vmem>>, vector<512x384xf32>
    %reshape3A_42 = vector.shape_cast %get3A_41 : vector<512x384xf32> to vector<64x8x384xf32>
    %get3A_43 = arith.constant 0 : index
    %get3A_44 = arith.constant 0 : index
    %get3A_45 = vector.load %arg3[%get3A_43, %get3A_44] : memref<8x384xf32, #tpu.memory_space<vmem>>, vector<8x384xf32>
    %reduce_min3A_46 = arith.constant dense<0x7F800000> : vector<8x384xf32>
    %reduce_min3A_47 = vector.multi_reduction <minimumf>, %reshape3A_42, %reduce_min3A_46 [0] : vector<64x8x384xf32> to vector<8x384xf32>
    %min3A_48 = arith.minimumf %get3A_45, %reduce_min3A_47 : vector<8x384xf32>
    %swap3A_49 = arith.constant 0 : index
    %swap3A_50 = arith.constant 0 : index
    %swap3A_51 = vector.load %arg3[%swap3A_49, %swap3A_50] : memref<8x384xf32, #tpu.memory_space<vmem>>, vector<8x384xf32>
    tpu.vector_store %arg3[%swap3A_49, %swap3A_50], %min3A_48 {strides = array<i32>} : memref<8x384xf32, #tpu.memory_space<vmem>>, vector<8x384xf32>,
    %get3A_52 = arith.constant 0 : index
    %get3A_53 = arith.constant 0 : index
    %get3A_54 = vector.load %arg4[%get3A_52, %get3A_53] : memref<8x384xf32, #tpu.memory_space<vmem>>, vector<8x384xf32>
    %reduce_max3A_55 = arith.constant dense<0xFF800000> : vector<8x384xf32>
    %reduce_max3A_56 = vector.multi_reduction <maximumf>, %reshape3A_42, %reduce_max3A_55 [0] : vector<64x8x384xf32> to vector<8x384xf32>
    %max3A_57 = arith.maximumf %get3A_54, %reduce_max3A_56 : vector<8x384xf32>
    %swap3A_58 = arith.constant 0 : index
    %swap3A_59 = arith.constant 0 : index
    %swap3A_60 = vector.load %arg4[%swap3A_58, %swap3A_59] : memref<8x384xf32, #tpu.memory_space<vmem>>, vector<8x384xf32>
    tpu.vector_store %arg4[%swap3A_58, %swap3A_59], %max3A_57 {strides = array<i32>} : memref<8x384xf32, #tpu.memory_space<vmem>>, vector<8x384xf32>,
    %get3A_61 = arith.constant 1536 : index
    %get3A_62 = arith.constant 0 : index
    %get3A_63 = vector.load %arg1[%get3A_61, %get3A_62] : memref<8192x384xf32, #tpu.memory_space<vmem>>, vector<512x384xf32>
    %reshape3A_64 = vector.shape_cast %get3A_63 : vector<512x384xf32> to vector<64x8x384xf32>
    %get3A_65 = arith.constant 0 : index
    %get3A_66 = arith.constant 0 : index
    %get3A_67 = vector.load %arg3[%get3A_65, %get3A_66] : memref<8x384xf32, #tpu.memory_space<vmem>>, vector<8x384xf32>
    %reduce_min3A_68 = arith.constant dense<0x7F800000> : vector<8x384xf32>
    %reduce_min3A_69 = vector.multi_reduction <minimumf>, %reshape3A_64, %reduce_min3A_68 [0] : vector<64x8x384xf32> to vector<8x384xf32>
    %min3A_70 = arith.minimumf %get3A_67, %reduce_min3A_69 : vector<8x384xf32>
    %swap3A_71 = arith.constant 0 : index
    %swap3A_72 = arith.constant 0 : index
    %swap3A_73 = vector.load %arg3[%swap3A_71, %swap3A_72] : memref<8x384xf32, #tpu.memory_space<vmem>>, vector<8x384xf32>
    tpu.vector_store %arg3[%swap3A_71, %swap3A_72], %min3A_70 {strides = array<i32>} : memref<8x384xf32, #tpu.memory_space<vmem>>, vector<8x384xf32>,
    %get3A_74 = arith.constant 0 : index
    %get3A_75 = arith.constant 0 : index
    %get3A_76 = vector.load %arg4[%get3A_74, %get3A_75] : memref<8x384xf32, #tpu.memory_space<vmem>>, vector<8x384xf32>
    %reduce_max3A_77 = arith.constant dense<0xFF800000> : vector<8x384xf32>
    %reduce_max3A_78 = vector.multi_reduction <maximumf>, %reshape3A_64, %reduce_max3A_77 [0] : vector<64x8x384xf32> to vector<8x384xf32>
    %max3A_79 = arith.maximumf %get3A_76, %reduce_max3A_78 : vector<8x384xf32>
    %swap3A_80 = arith.constant 0 : index
    %swap3A_81 = arith.constant 0 : index
    %swap3A_82 = vector.load %arg4[%swap3A_80, %swap3A_81] : memref<8x384xf32, #tpu.memory_space<vmem>>, vector<8x384xf32>
    tpu.vector_store %arg4[%swap3A_80, %swap3A_81], %max3A_79 {strides = array<i32>} : memref<8x384xf32, #tpu.memory_space<vmem>>, vector<8x384xf32>,
    %get3A_83 = arith.constant 2048 : index
    %get3A_84 = arith.constant 0 : index
    %get3A_85 = vector.load %arg1[%get3A_83, %get3A_84] : memref<8192x384xf32, #tpu.memory_space<vmem>>, vector<512x384xf32>
    %reshape3A_86 = vector.shape_cast %get3A_85 : vector<512x384xf32> to vector<64x8x384xf32>
    %get3A_87 = arith.constant 0 : index
    %get3A_88 = arith.constant 0 : index
    %get3A_89 = vector.load %arg3[%get3A_87, %get3A_88] : memref<8x384xf32, #tpu.memory_space<vmem>>, vector<8x384xf32>
    %reduce_min3A_90 = arith.constant dense<0x7F800000> : vector<8x384xf32>
    %reduce_min3A_91 = vector.multi_reduction <minimumf>, %reshape3A_86, %reduce_min3A_90 [0] : vector<64x8x384xf32> to vector<8x384xf32>
    %min3A_92 = arith.minimumf %get3A_89, %reduce_min3A_91 : vector<8x384xf32>
    %swap3A_93 = arith.constant 0 : index
    %swap3A_94 = arith.constant 0 : index
    %swap3A_95 = vector.load %arg3[%swap3A_93, %swap3A_94] : memref<8x384xf32, #tpu.memory_space<vmem>>, vector<8x384xf32>
    tpu.vector_store %arg3[%swap3A_93, %swap3A_94], %min3A_92 {strides = array<i32>} : memref<8x384xf32, #tpu.memory_space<vmem>>, vector<8x384xf32>,
    %get3A_96 = arith.constant 0 : index
    %get3A_97 = arith.constant 0 : index
    %get3A_98 = vector.load %arg4[%get3A_96, %get3A_97] : memref<8x384xf32, #tpu.memory_space<vmem>>, vector<8x384xf32>
    %reduce_max3A_99 = arith.constant dense<0xFF800000> : vector<8x384xf32>
    %reduce_max3A_100 = vector.multi_reduction <maximumf>, %reshape3A_86, %reduce_max3A_99 [0] : vector<64x8x384xf32> to vector<8x384xf32>
    %max3A_101 = arith.maximumf %get3A_98, %reduce_max3A_100 : vector<8x384xf32>
    %swap3A_102 = arith.constant 0 : index
    %swap3A_103 = arith.constant 0 : index
    %swap3A_104 = vector.load %arg4[%swap3A_102, %swap3A_103] : memref<8x384xf32, #tpu.memory_space<vmem>>, vector<8x384xf32>
    tpu.vector_store %arg4[%swap3A_102, %swap3A_103], %max3A_101 {strides = array<i32>} : memref<8x384xf32, #tpu.memory_space<vmem>>, vector<8x384xf32>,
    %get3A_105 = arith.constant 2560 : index
    %get3A_106 = arith.constant 0 : index
    %get3A_107 = vector.load %arg1[%get3A_105, %get3A_106] : memref<8192x384xf32, #tpu.memory_space<vmem>>, vector<512x384xf32>
    %reshape3A_108 = vector.shape_cast %get3A_107 : vector<512x384xf32> to vector<64x8x384xf32>
    %get3A_109 = arith.constant 0 : index
    %get3A_110 = arith.constant 0 : index
    %get3A_111 = vector.load %arg3[%get3A_109, %get3A_110] : memref<8x384xf32, #tpu.memory_space<vmem>>, vector<8x384xf32>
    %reduce_min3A_112 = arith.constant dense<0x7F800000> : vector<8x384xf32>
    %reduce_min3A_113 = vector.multi_reduction <minimumf>, %reshape3A_108, %reduce_min3A_112 [0] : vector<64x8x384xf32> to vector<8x384xf32>
    %min3A_114 = arith.minimumf %get3A_111, %reduce_min3A_113 : vector<8x384xf32>
    %swap3A_115 = arith.constant 0 : index
    %swap3A_116 = arith.constant 0 : index
    %swap3A_117 = vector.load %arg3[%swap3A_115, %swap3A_116] : memref<8x384xf32, #tpu.memory_space<vmem>>, vector<8x384xf32>
    tpu.vector_store %arg3[%swap3A_115, %swap3A_116], %min3A_114 {strides = array<i32>} : memref<8x384xf32, #tpu.memory_space<vmem>>, vector<8x384xf32>,
    %get3A_118 = arith.constant 0 : index
    %get3A_119 = arith.constant 0 : index
    %get3A_120 = vector.load %arg4[%get3A_118, %get3A_119] : memref<8x384xf32, #tpu.memory_space<vmem>>, vector<8x384xf32>
    %reduce_max3A_121 = arith.constant dense<0xFF800000> : vector<8x384xf32>
    %reduce_max3A_122 = vector.multi_reduction <maximumf>, %reshape3A_108, %reduce_max3A_121 [0] : vector<64x8x384xf32> to vector<8x384xf32>
    %max3A_123 = arith.maximumf %get3A_120, %reduce_max3A_122 : vector<8x384xf32>
    %swap3A_124 = arith.constant 0 : index
    %swap3A_125 = arith.constant 0 : index
    %swap3A_126 = vector.load %arg4[%swap3A_124, %swap3A_125] : memref<8x384xf32, #tpu.memory_space<vmem>>, vector<8x384xf32>
    tpu.vector_store %arg4[%swap3A_124, %swap3A_125], %max3A_123 {strides = array<i32>} : memref<8x384xf32, #tpu.memory_space<vmem>>, vector<8x384xf32>,
    %get3A_127 = arith.constant 3072 : index
    %get3A_128 = arith.constant 0 : index
    %get3A_129 = vector.load %arg1[%get3A_127, %get3A_128] : memref<8192x384xf32, #tpu.memory_space<vmem>>, vector<512x384xf32>
    %reshape3A_130 = vector.shape_cast %get3A_129 : vector<512x384xf32> to vector<64x8x384xf32>
    %get3A_131 = arith.constant 0 : index
    %get3A_132 = arith.constant 0 : index
    %get3A_133 = vector.load %arg3[%get3A_131, %get3A_132] : memref<8x384xf32, #tpu.memory_space<vmem>>, vector<8x384xf32>
    %reduce_min3A_134 = arith.constant dense<0x7F800000> : vector<8x384xf32>
    %reduce_min3A_135 = vector.multi_reduction <minimumf>, %reshape3A_130, %reduce_min3A_134 [0] : vector<64x8x384xf32> to vector<8x384xf32>
    %min3A_136 = arith.minimumf %get3A_133, %reduce_min3A_135 : vector<8x384xf32>
    %swap3A_137 = arith.constant 0 : index
    %swap3A_138 = arith.constant 0 : index
    %swap3A_139 = vector.load %arg3[%swap3A_137, %swap3A_138] : memref<8x384xf32, #tpu.memory_space<vmem>>, vector<8x384xf32>
    tpu.vector_store %arg3[%swap3A_137, %swap3A_138], %min3A_136 {strides = array<i32>} : memref<8x384xf32, #tpu.memory_space<vmem>>, vector<8x384xf32>,
    %get3A_140 = arith.constant 0 : index
    %get3A_141 = arith.constant 0 : index
    %get3A_142 = vector.load %arg4[%get3A_140, %get3A_141] : memref<8x384xf32, #tpu.memory_space<vmem>>, vector<8x384xf32>
    %reduce_max3A_143 = arith.constant dense<0xFF800000> : vector<8x384xf32>
    %reduce_max3A_144 = vector.multi_reduction <maximumf>, %reshape3A_130, %reduce_max3A_143 [0] : vector<64x8x384xf32> to vector<8x384xf32>
    %max3A_145 = arith.maximumf %get3A_142, %reduce_max3A_144 : vector<8x384xf32>
    %swap3A_146 = arith.constant 0 : index
    %swap3A_147 = arith.constant 0 : index
    %swap3A_148 = vector.load %arg4[%swap3A_146, %swap3A_147] : memref<8x384xf32, #tpu.memory_space<vmem>>, vector<8x384xf32>
    tpu.vector_store %arg4[%swap3A_146, %swap3A_147], %max3A_145 {strides = array<i32>} : memref<8x384xf32, #tpu.memory_space<vmem>>, vector<8x384xf32>,
    %get3A_149 = arith.constant 3584 : index
    %get3A_150 = arith.constant 0 : index
    %get3A_151 = vector.load %arg1[%get3A_149, %get3A_150] : memref<8192x384xf32, #tpu.memory_space<vmem>>, vector<512x384xf32>
    %reshape3A_152 = vector.shape_cast %get3A_151 : vector<512x384xf32> to vector<64x8x384xf32>
    %get3A_153 = arith.constant 0 : index
    %get3A_154 = arith.constant 0 : index
    %get3A_155 = vector.load %arg3[%get3A_153, %get3A_154] : memref<8x384xf32, #tpu.memory_space<vmem>>, vector<8x384xf32>
    %reduce_min3A_156 = arith.constant dense<0x7F800000> : vector<8x384xf32>
    %reduce_min3A_157 = vector.multi_reduction <minimumf>, %reshape3A_152, %reduce_min3A_156 [0] : vector<64x8x384xf32> to vector<8x384xf32>
    %min3A_158 = arith.minimumf %get3A_155, %reduce_min3A_157 : vector<8x384xf32>
    %swap3A_159 = arith.constant 0 : index
    %swap3A_160 = arith.constant 0 : index
    %swap3A_161 = vector.load %arg3[%swap3A_159, %swap3A_160] : memref<8x384xf32, #tpu.memory_space<vmem>>, vector<8x384xf32>
    tpu.vector_store %arg3[%swap3A_159, %swap3A_160], %min3A_158 {strides = array<i32>} : memref<8x384xf32, #tpu.memory_space<vmem>>, vector<8x384xf32>,
    %get3A_162 = arith.constant 0 : index
    %get3A_163 = arith.constant 0 : index
    %get3A_164 = vector.load %arg4[%get3A_162, %get3A_163] : memref<8x384xf32, #tpu.memory_space<vmem>>, vector<8x384xf32>
    %reduce_max3A_165 = arith.constant dense<0xFF800000> : vector<8x384xf32>
    %reduce_max3A_166 = vector.multi_reduction <maximumf>, %reshape3A_152, %reduce_max3A_165 [0] : vector<64x8x384xf32> to vector<8x384xf32>
    %max3A_167 = arith.maximumf %get3A_164, %reduce_max3A_166 : vector<8x384xf32>
    %swap3A_168 = arith.constant 0 : index
    %swap3A_169 = arith.constant 0 : index
    %swap3A_170 = vector.load %arg4[%swap3A_168, %swap3A_169] : memref<8x384xf32, #tpu.memory_space<vmem>>, vector<8x384xf32>
    tpu.vector_store %arg4[%swap3A_168, %swap3A_169], %max3A_167 {strides = array<i32>} : memref<8x384xf32, #tpu.memory_space<vmem>>, vector<8x384xf32>,
    %get3A_171 = arith.constant 4096 : index
    %get3A_172 = arith.constant 0 : index
    %get3A_173 = vector.load %arg1[%get3A_171, %get3A_172] : memref<8192x384xf32, #tpu.memory_space<vmem>>, vector<512x384xf32>
    %reshape3A_174 = vector.shape_cast %get3A_173 : vector<512x384xf32> to vector<64x8x384xf32>
    %get3A_175 = arith.constant 0 : index
    %get3A_176 = arith.constant 0 : index
    %get3A_177 = vector.load %arg3[%get3A_175, %get3A_176] : memref<8x384xf32, #tpu.memory_space<vmem>>, vector<8x384xf32>
    %reduce_min3A_178 = arith.constant dense<0x7F800000> : vector<8x384xf32>
    %reduce_min3A_179 = vector.multi_reduction <minimumf>, %reshape3A_174, %reduce_min3A_178 [0] : vector<64x8x384xf32> to vector<8x384xf32>
    %min3A_180 = arith.minimumf %get3A_177, %reduce_min3A_179 : vector<8x384xf32>
    %swap3A_181 = arith.constant 0 : index
    %swap3A_182 = arith.constant 0 : index
    %swap3A_183 = vector.load %arg3[%swap3A_181, %swap3A_182] : memref<8x384xf32, #tpu.memory_space<vmem>>, vector<8x384xf32>
    tpu.vector_store %arg3[%swap3A_181, %swap3A_182], %min3A_180 {strides = array<i32>} : memref<8x384xf32, #tpu.memory_space<vmem>>, vector<8x384xf32>,
    %get3A_184 = arith.constant 0 : index
    %get3A_185 = arith.constant 0 : index
    %get3A_186 = vector.load %arg4[%get3A_184, %get3A_185] : memref<8x384xf32, #tpu.memory_space<vmem>>, vector<8x384xf32>
    %reduce_max3A_187 = arith.constant dense<0xFF800000> : vector<8x384xf32>
    %reduce_max3A_188 = vector.multi_reduction <maximumf>, %reshape3A_174, %reduce_max3A_187 [0] : vector<64x8x384xf32> to vector<8x384xf32>
    %max3A_189 = arith.maximumf %get3A_186, %reduce_max3A_188 : vector<8x384xf32>
    %swap3A_190 = arith.constant 0 : index
    %swap3A_191 = arith.constant 0 : index
    %swap3A_192 = vector.load %arg4[%swap3A_190, %swap3A_191] : memref<8x384xf32, #tpu.memory_space<vmem>>, vector<8x384xf32>
    tpu.vector_store %arg4[%swap3A_190, %swap3A_191], %max3A_189 {strides = array<i32>} : memref<8x384xf32, #tpu.memory_space<vmem>>, vector<8x384xf32>,
    %get3A_193 = arith.constant 4608 : index
    %get3A_194 = arith.constant 0 : index
    %get3A_195 = vector.load %arg1[%get3A_193, %get3A_194] : memref<8192x384xf32, #tpu.memory_space<vmem>>, vector<512x384xf32>
    %reshape3A_196 = vector.shape_cast %get3A_195 : vector<512x384xf32> to vector<64x8x384xf32>
    %get3A_197 = arith.constant 0 : index
    %get3A_198 = arith.constant 0 : index
    %get3A_199 = vector.load %arg3[%get3A_197, %get3A_198] : memref<8x384xf32, #tpu.memory_space<vmem>>, vector<8x384xf32>
    %reduce_min3A_200 = arith.constant dense<0x7F800000> : vector<8x384xf32>
    %reduce_min3A_201 = vector.multi_reduction <minimumf>, %reshape3A_196, %reduce_min3A_200 [0] : vector<64x8x384xf32> to vector<8x384xf32>
    %min3A_202 = arith.minimumf %get3A_199, %reduce_min3A_201 : vector<8x384xf32>
    %swap3A_203 = arith.constant 0 : index
    %swap3A_204 = arith.constant 0 : index
    %swap3A_205 = vector.load %arg3[%swap3A_203, %swap3A_204] : memref<8x384xf32, #tpu.memory_space<vmem>>, vector<8x384xf32>
    tpu.vector_store %arg3[%swap3A_203, %swap3A_204], %min3A_202 {strides = array<i32>} : memref<8x384xf32, #tpu.memory_space<vmem>>, vector<8x384xf32>,
    %get3A_206 = arith.constant 0 : index
    %get3A_207 = arith.constant 0 : index
    %get3A_208 = vector.load %arg4[%get3A_206, %get3A_207] : memref<8x384xf32, #tpu.memory_space<vmem>>, vector<8x384xf32>
    %reduce_max3A_209 = arith.constant dense<0xFF800000> : vector<8x384xf32>
    %reduce_max3A_210 = vector.multi_reduction <maximumf>, %reshape3A_196, %reduce_max3A_209 [0] : vector<64x8x384xf32> to vector<8x384xf32>
    %max3A_211 = arith.maximumf %get3A_208, %reduce_max3A_210 : vector<8x384xf32>
    %swap3A_212 = arith.constant 0 : index
    %swap3A_213 = arith.constant 0 : index
    %swap3A_214 = vector.load %arg4[%swap3A_212, %swap3A_213] : memref<8x384xf32, #tpu.memory_space<vmem>>, vector<8x384xf32>
    tpu.vector_store %arg4[%swap3A_212, %swap3A_213], %max3A_211 {strides = array<i32>} : memref<8x384xf32, #tpu.memory_space<vmem>>, vector<8x384xf32>,
    %get3A_215 = arith.constant 5120 : index
    %get3A_216 = arith.constant 0 : index
    %get3A_217 = vector.load %arg1[%get3A_215, %get3A_216] : memref<8192x384xf32, #tpu.memory_space<vmem>>, vector<512x384xf32>
    %reshape3A_218 = vector.shape_cast %get3A_217 : vector<512x384xf32> to vector<64x8x384xf32>
    %get3A_219 = arith.constant 0 : index
    %get3A_220 = arith.constant 0 : index
    %get3A_221 = vector.load %arg3[%get3A_219, %get3A_220] : memref<8x384xf32, #tpu.memory_space<vmem>>, vector<8x384xf32>
    %reduce_min3A_222 = arith.constant dense<0x7F800000> : vector<8x384xf32>
    %reduce_min3A_223 = vector.multi_reduction <minimumf>, %reshape3A_218, %reduce_min3A_222 [0] : vector<64x8x384xf32> to vector<8x384xf32>
    %min3A_224 = arith.minimumf %get3A_221, %reduce_min3A_223 : vector<8x384xf32>
    %swap3A_225 = arith.constant 0 : index
    %swap3A_226 = arith.constant 0 : index
    %swap3A_227 = vector.load %arg3[%swap3A_225, %swap3A_226] : memref<8x384xf32, #tpu.memory_space<vmem>>, vector<8x384xf32>
    tpu.vector_store %arg3[%swap3A_225, %swap3A_226], %min3A_224 {strides = array<i32>} : memref<8x384xf32, #tpu.memory_space<vmem>>, vector<8x384xf32>,
    %get3A_228 = arith.constant 0 : index
    %get3A_229 = arith.constant 0 : index
    %get3A_230 = vector.load %arg4[%get3A_228, %get3A_229] : memref<8x384xf32, #tpu.memory_space<vmem>>, vector<8x384xf32>
    %reduce_max3A_231 = arith.constant dense<0xFF800000> : vector<8x384xf32>
    %reduce_max3A_232 = vector.multi_reduction <maximumf>, %reshape3A_218, %reduce_max3A_231 [0] : vector<64x8x384xf32> to vector<8x384xf32>
    %max3A_233 = arith.maximumf %get3A_230, %reduce_max3A_232 : vector<8x384xf32>
    %swap3A_234 = arith.constant 0 : index
    %swap3A_235 = arith.constant 0 : index
    %swap3A_236 = vector.load %arg4[%swap3A_234, %swap3A_235] : memref<8x384xf32, #tpu.memory_space<vmem>>, vector<8x384xf32>
    tpu.vector_store %arg4[%swap3A_234, %swap3A_235], %max3A_233 {strides = array<i32>} : memref<8x384xf32, #tpu.memory_space<vmem>>, vector<8x384xf32>,
    %get3A_237 = arith.constant 5632 : index
    %get3A_238 = arith.constant 0 : index
    %get3A_239 = vector.load %arg1[%get3A_237, %get3A_238] : memref<8192x384xf32, #tpu.memory_space<vmem>>, vector<512x384xf32>
    %reshape3A_240 = vector.shape_cast %get3A_239 : vector<512x384xf32> to vector<64x8x384xf32>
    %get3A_241 = arith.constant 0 : index
    %get3A_242 = arith.constant 0 : index
    %get3A_243 = vector.load %arg3[%get3A_241, %get3A_242] : memref<8x384xf32, #tpu.memory_space<vmem>>, vector<8x384xf32>
    %reduce_min3A_244 = arith.constant dense<0x7F800000> : vector<8x384xf32>
    %reduce_min3A_245 = vector.multi_reduction <minimumf>, %reshape3A_240, %reduce_min3A_244 [0] : vector<64x8x384xf32> to vector<8x384xf32>
    %min3A_246 = arith.minimumf %get3A_243, %reduce_min3A_245 : vector<8x384xf32>
    %swap3A_247 = arith.constant 0 : index
    %swap3A_248 = arith.constant 0 : index
    %swap3A_249 = vector.load %arg3[%swap3A_247, %swap3A_248] : memref<8x384xf32, #tpu.memory_space<vmem>>, vector<8x384xf32>
    tpu.vector_store %arg3[%swap3A_247, %swap3A_248], %min3A_246 {strides = array<i32>} : memref<8x384xf32, #tpu.memory_space<vmem>>, vector<8x384xf32>,
    %get3A_250 = arith.constant 0 : index
    %get3A_251 = arith.constant 0 : index
    %get3A_252 = vector.load %arg4[%get3A_250, %get3A_251] : memref<8x384xf32, #tpu.memory_space<vmem>>, vector<8x384xf32>
    %reduce_max3A_253 = arith.constant dense<0xFF800000> : vector<8x384xf32>
    %reduce_max3A_254 = vector.multi_reduction <maximumf>, %reshape3A_240, %reduce_max3A_253 [0] : vector<64x8x384xf32> to vector<8x384xf32>
    %max3A_255 = arith.maximumf %get3A_252, %reduce_max3A_254 : vector<8x384xf32>
    %swap3A_256 = arith.constant 0 : index
    %swap3A_257 = arith.constant 0 : index
    %swap3A_258 = vector.load %arg4[%swap3A_256, %swap3A_257] : memref<8x384xf32, #tpu.memory_space<vmem>>, vector<8x384xf32>
    tpu.vector_store %arg4[%swap3A_256, %swap3A_257], %max3A_255 {strides = array<i32>} : memref<8x384xf32, #tpu.memory_space<vmem>>, vector<8x384xf32>,
    %get3A_259 = arith.constant 6144 : index
    %get3A_260 = arith.constant 0 : index
    %get3A_261 = vector.load %arg1[%get3A_259, %get3A_260] : memref<8192x384xf32, #tpu.memory_space<vmem>>, vector<512x384xf32>
    %reshape3A_262 = vector.shape_cast %get3A_261 : vector<512x384xf32> to vector<64x8x384xf32>
    %get3A_263 = arith.constant 0 : index
    %get3A_264 = arith.constant 0 : index
    %get3A_265 = vector.load %arg3[%get3A_263, %get3A_264] : memref<8x384xf32, #tpu.memory_space<vmem>>, vector<8x384xf32>
    %reduce_min3A_266 = arith.constant dense<0x7F800000> : vector<8x384xf32>
    %reduce_min3A_267 = vector.multi_reduction <minimumf>, %reshape3A_262, %reduce_min3A_266 [0] : vector<64x8x384xf32> to vector<8x384xf32>
    %min3A_268 = arith.minimumf %get3A_265, %reduce_min3A_267 : vector<8x384xf32>
    %swap3A_269 = arith.constant 0 : index
    %swap3A_270 = arith.constant 0 : index
    %swap3A_271 = vector.load %arg3[%swap3A_269, %swap3A_270] : memref<8x384xf32, #tpu.memory_space<vmem>>, vector<8x384xf32>
    tpu.vector_store %arg3[%swap3A_269, %swap3A_270], %min3A_268 {strides = array<i32>} : memref<8x384xf32, #tpu.memory_space<vmem>>, vector<8x384xf32>,
    %get3A_272 = arith.constant 0 : index
    %get3A_273 = arith.constant 0 : index
    %get3A_274 = vector.load %arg4[%get3A_272, %get3A_273] : memref<8x384xf32, #tpu.memory_space<vmem>>, vector<8x384xf32>
    %reduce_max3A_275 = arith.constant dense<0xFF800000> : vector<8x384xf32>
    %reduce_max3A_276 = vector.multi_reduction <maximumf>, %reshape3A_262, %reduce_max3A_275 [0] : vector<64x8x384xf32> to vector<8x384xf32>
    %max3A_277 = arith.maximumf %get3A_274, %reduce_max3A_276 : vector<8x384xf32>
    %swap3A_278 = arith.constant 0 : index
    %swap3A_279 = arith.constant 0 : index
    %swap3A_280 = vector.load %arg4[%swap3A_278, %swap3A_279] : memref<8x384xf32, #tpu.memory_space<vmem>>, vector<8x384xf32>
    tpu.vector_store %arg4[%swap3A_278, %swap3A_279], %max3A_277 {strides = array<i32>} : memref<8x384xf32, #tpu.memory_space<vmem>>, vector<8x384xf32>,
    %get3A_281 = arith.constant 6656 : index
    %get3A_282 = arith.constant 0 : index
    %get3A_283 = vector.load %arg1[%get3A_281, %get3A_282] : memref<8192x384xf32, #tpu.memory_space<vmem>>, vector<512x384xf32>
    %reshape3A_284 = vector.shape_cast %get3A_283 : vector<512x384xf32> to vector<64x8x384xf32>
    %get3A_285 = arith.constant 0 : index
    %get3A_286 = arith.constant 0 : index
    %get3A_287 = vector.load %arg3[%get3A_285, %get3A_286] : memref<8x384xf32, #tpu.memory_space<vmem>>, vector<8x384xf32>
    %reduce_min3A_288 = arith.constant dense<0x7F800000> : vector<8x384xf32>
    %reduce_min3A_289 = vector.multi_reduction <minimumf>, %reshape3A_284, %reduce_min3A_288 [0] : vector<64x8x384xf32> to vector<8x384xf32>
    %min3A_290 = arith.minimumf %get3A_287, %reduce_min3A_289 : vector<8x384xf32>
    %swap3A_291 = arith.constant 0 : index
    %swap3A_292 = arith.constant 0 : index
    %swap3A_293 = vector.load %arg3[%swap3A_291, %swap3A_292] : memref<8x384xf32, #tpu.memory_space<vmem>>, vector<8x384xf32>
    tpu.vector_store %arg3[%swap3A_291, %swap3A_292], %min3A_290 {strides = array<i32>} : memref<8x384xf32, #tpu.memory_space<vmem>>, vector<8x384xf32>,
    %get3A_294 = arith.constant 0 : index
    %get3A_295 = arith.constant 0 : index
    %get3A_296 = vector.load %arg4[%get3A_294, %get3A_295] : memref<8x384xf32, #tpu.memory_space<vmem>>, vector<8x384xf32>
    %reduce_max3A_297 = arith.constant dense<0xFF800000> : vector<8x384xf32>
    %reduce_max3A_298 = vector.multi_reduction <maximumf>, %reshape3A_284, %reduce_max3A_297 [0] : vector<64x8x384xf32> to vector<8x384xf32>
    %max3A_299 = arith.maximumf %get3A_296, %reduce_max3A_298 : vector<8x384xf32>
    %swap3A_300 = arith.constant 0 : index
    %swap3A_301 = arith.constant 0 : index
    %swap3A_302 = vector.load %arg4[%swap3A_300, %swap3A_301] : memref<8x384xf32, #tpu.memory_space<vmem>>, vector<8x384xf32>
    tpu.vector_store %arg4[%swap3A_300, %swap3A_301], %max3A_299 {strides = array<i32>} : memref<8x384xf32, #tpu.memory_space<vmem>>, vector<8x384xf32>,
    %get3A_303 = arith.constant 7168 : index
    %get3A_304 = arith.constant 0 : index
    %get3A_305 = vector.load %arg1[%get3A_303, %get3A_304] : memref<8192x384xf32, #tpu.memory_space<vmem>>, vector<512x384xf32>
    %reshape3A_306 = vector.shape_cast %get3A_305 : vector<512x384xf32> to vector<64x8x384xf32>
    %get3A_307 = arith.constant 0 : index
    %get3A_308 = arith.constant 0 : index
    %get3A_309 = vector.load %arg3[%get3A_307, %get3A_308] : memref<8x384xf32, #tpu.memory_space<vmem>>, vector<8x384xf32>
    %reduce_min3A_310 = arith.constant dense<0x7F800000> : vector<8x384xf32>
    %reduce_min3A_311 = vector.multi_reduction <minimumf>, %reshape3A_306, %reduce_min3A_310 [0] : vector<64x8x384xf32> to vector<8x384xf32>
    %min3A_312 = arith.minimumf %get3A_309, %reduce_min3A_311 : vector<8x384xf32>
    %swap3A_313 = arith.constant 0 : index
    %swap3A_314 = arith.constant 0 : index
    %swap3A_315 = vector.load %arg3[%swap3A_313, %swap3A_314] : memref<8x384xf32, #tpu.memory_space<vmem>>, vector<8x384xf32>
    tpu.vector_store %arg3[%swap3A_313, %swap3A_314], %min3A_312 {strides = array<i32>} : memref<8x384xf32, #tpu.memory_space<vmem>>, vector<8x384xf32>,
    %get3A_316 = arith.constant 0 : index
    %get3A_317 = arith.constant 0 : index
    %get3A_318 = vector.load %arg4[%get3A_316, %get3A_317] : memref<8x384xf32, #tpu.memory_space<vmem>>, vector<8x384xf32>
    %reduce_max3A_319 = arith.constant dense<0xFF800000> : vector<8x384xf32>
    %reduce_max3A_320 = vector.multi_reduction <maximumf>, %reshape3A_306, %reduce_max3A_319 [0] : vector<64x8x384xf32> to vector<8x384xf32>
    %max3A_321 = arith.maximumf %get3A_318, %reduce_max3A_320 : vector<8x384xf32>
    %swap3A_322 = arith.constant 0 : index
    %swap3A_323 = arith.constant 0 : index
    %swap3A_324 = vector.load %arg4[%swap3A_322, %swap3A_323] : memref<8x384xf32, #tpu.memory_space<vmem>>, vector<8x384xf32>
    tpu.vector_store %arg4[%swap3A_322, %swap3A_323], %max3A_321 {strides = array<i32>} : memref<8x384xf32, #tpu.memory_space<vmem>>, vector<8x384xf32>,
    %get3A_325 = arith.constant 7680 : index
    %get3A_326 = arith.constant 0 : index
    %get3A_327 = vector.load %arg1[%get3A_325, %get3A_326] : memref<8192x384xf32, #tpu.memory_space<vmem>>, vector<512x384xf32>
    %reshape3A_328 = vector.shape_cast %get3A_327 : vector<512x384xf32> to vector<64x8x384xf32>
    %get3A_329 = arith.constant 0 : index
    %get3A_330 = arith.constant 0 : index
    %get3A_331 = vector.load %arg3[%get3A_329, %get3A_330] : memref<8x384xf32, #tpu.memory_space<vmem>>, vector<8x384xf32>
    %reduce_min3A_332 = arith.constant dense<0x7F800000> : vector<8x384xf32>
    %reduce_min3A_333 = vector.multi_reduction <minimumf>, %reshape3A_328, %reduce_min3A_332 [0] : vector<64x8x384xf32> to vector<8x384xf32>
    %min3A_334 = arith.minimumf %get3A_331, %reduce_min3A_333 : vector<8x384xf32>
    %swap3A_335 = arith.constant 0 : index
    %swap3A_336 = arith.constant 0 : index
    %swap3A_337 = vector.load %arg3[%swap3A_335, %swap3A_336] : memref<8x384xf32, #tpu.memory_space<vmem>>, vector<8x384xf32>
    tpu.vector_store %arg3[%swap3A_335, %swap3A_336], %min3A_334 {strides = array<i32>} : memref<8x384xf32, #tpu.memory_space<vmem>>, vector<8x384xf32>,
    %get3A_338 = arith.constant 0 : index
    %get3A_339 = arith.constant 0 : index
    %get3A_340 = vector.load %arg4[%get3A_338, %get3A_339] : memref<8x384xf32, #tpu.memory_space<vmem>>, vector<8x384xf32>
    %reduce_max3A_341 = arith.constant dense<0xFF800000> : vector<8x384xf32>
    %reduce_max3A_342 = vector.multi_reduction <maximumf>, %reshape3A_328, %reduce_max3A_341 [0] : vector<64x8x384xf32> to vector<8x384xf32>
    %max3A_343 = arith.maximumf %get3A_340, %reduce_max3A_342 : vector<8x384xf32>
    %swap3A_344 = arith.constant 0 : index
    %swap3A_345 = arith.constant 0 : index
    %swap3A_346 = vector.load %arg4[%swap3A_344, %swap3A_345] : memref<8x384xf32, #tpu.memory_space<vmem>>, vector<8x384xf32>
    tpu.vector_store %arg4[%swap3A_344, %swap3A_345], %max3A_343 {strides = array<i32>} : memref<8x384xf32, #tpu.memory_space<vmem>>, vector<8x384xf32>,
    %eq3A_347 = arith.constant 8 : i32
    %eq3A_348 = arith.cmpi eq, %arg0, %eq3A_347 : i32
    %convert_element_type3A_349 = arith.extui %eq3A_348 : i1 to i32
    %cond3A_350 = arith.constant 0 : i32
    %cond3A_351 = arith.cmpi ne, %convert_element_type3A_349, %cond3A_350 : i32
    scf.if %cond3A_351 {
      %get3A_352 = arith.constant 0 : index
      %get3A_353 = arith.constant 0 : index
      %get3A_354 = vector.load %arg3[%get3A_352, %get3A_353] : memref<8x384xf32, #tpu.memory_space<vmem>>, vector<8x384xf32>
      %reduce_min3A_355 = vector.shape_cast %get3A_354 : vector<8x384xf32> to vector<1x8x384xf32>
      %reduce_min3A_356 = arith.constant dense<0x7F800000> : vector<1xf32>
      %reduce_min3A_357 = vector.multi_reduction <minimumf>, %reduce_min3A_355, %reduce_min3A_356 [1, 2] : vector<1x8x384xf32> to vector<1xf32>
      %reduce_min3A_358 = vector.shape_cast %reduce_min3A_357 : vector<1xf32> to vector<1x1x1xf32>
      %reduce_min3A_359 = vector.extract %reduce_min3A_358[0, 0, 0] : f32 from vector<1x1x1xf32>
      %broadcast_in_dim3A = vector.broadcast %reduce_min3A_359 : f32 to vector<1x128xf32>
      %swap3A_360 = arith.constant 0 : index
      %swap3A_361 = arith.constant 0 : index
      %swap3A_362 = vector.load %arg2[%swap3A_360, %swap3A_361] : memref<8x128xf32, #tpu.memory_space<vmem>>, vector<1x128xf32>
      tpu.vector_store %arg2[%swap3A_360, %swap3A_361], %broadcast_in_dim3A {strides = array<i32>} : memref<8x128xf32, #tpu.memory_space<vmem>>, vector<1x128xf32>,
      %get3A_363 = arith.constant 0 : index
      %get3A_364 = arith.constant 0 : index
      %get3A_365 = vector.load %arg4[%get3A_363, %get3A_364] : memref<8x384xf32, #tpu.memory_space<vmem>>, vector<8x384xf32>
      %reduce_max3A_366 = vector.shape_cast %get3A_365 : vector<8x384xf32> to vector<1x8x384xf32>
      %reduce_max3A_367 = arith.constant dense<0xFF800000> : vector<1xf32>
      %reduce_max3A_368 = vector.multi_reduction <maximumf>, %reduce_max3A_366, %reduce_max3A_367 [1, 2] : vector<1x8x384xf32> to vector<1xf32>
      %reduce_max3A_369 = vector.shape_cast %reduce_max3A_368 : vector<1xf32> to vector<1x1x1xf32>
      %reduce_max3A_370 = vector.extract %reduce_max3A_369[0, 0, 0] : f32 from vector<1x1x1xf32>
      %broadcast_in_dim3A_371 = vector.broadcast %reduce_max3A_370 : f32 to vector<1x128xf32>
      %swap3A_372 = arith.constant 1 : index
      %swap3A_373 = arith.constant 0 : index
      %swap3A_374 = vector.load %arg2[%swap3A_372, %swap3A_373] : memref<8x128xf32, #tpu.memory_space<vmem>>, vector<1x128xf32>
      tpu.vector_store %arg2[%swap3A_372, %swap3A_373], %broadcast_in_dim3A_371 {strides = array<i32>} : memref<8x128xf32, #tpu.memory_space<vmem>>, vector<1x128xf32>,
    } else {
    }
    return
  }
  func.func @transform_0(%arg0: i32) -> (i32, i32) {
    %c0_i32 = arith.constant 0 : i32
    %c0_i32_0 = arith.constant 0 : i32
    return %arg0, %c0_i32 : i32, i32
  }
  func.func @transform_1(%arg0: i32) -> (i32, i32) {
    %c0_i32 = arith.constant 0 : i32
    %c0_i32_0 = arith.constant 0 : i32
    %c0_i32_1 = arith.constant 0 : i32
    return %c0_i32, %c0_i32_0 : i32, i32
  }
}

</mosaic_0001>

<sc_bundles>
// kernel: kernel.4.cloned.1.call-start
scs
__scs_entry_jumppad:
0x0: {  	(pc) =	sbr.rel $0x88, $3  }
0x1: {  	(tag) =	ssettag $0x0;
	lr =	simm.s32 $0x1  }
0x2: {  	[smem:$0x3F9F] =	sst lr;
	_ =	strace $0xD0000000  }
0x3: {  	_ = 	snop  }
0x4: {  	_ = 	snop  }
0x5: {  	_ = 	snop  }
0x6: {  	_ = 	snop  }
0x7: {  	_ = 	snop  }
__scs_overlays_trampoline_lowered:
0x8: {  	[smem:$0x3FAE] =	sst s0  }
0x9: {  	[smem:$0x3FAF] =	sst s1  }
0xa: {  	[smem:$0x3FB0] =	sst s2  }
0xb: {  	[smem:$0x3FB1] =	sst s3  }
0xc: {  	[smem:$0x3FB2] =	sst s4  }
0xd: {  	[smem:$0x3FB3] =	sst s5  }
0xe: {  	[smem:$0x3FB4] =	sst s6  }
0xf: {  	[smem:$0x3FB5] =	sst s7  }
0x10: {  	[smem:$0x3FB6] =	sst s8  }
0x11: {  	[smem:$0x3FB7] =	sst s9;
	s0 =	simm.s32 @!p0 $0x0  }
0x12: {  	s1 =	sld [smem:$0x3F9D];
	s0 =	simm.s32 @p0 $0x1  }
0x13: {  	[smem:$0x3FB8] =	sst s0;
	s0 =	simm.s32 @!p1 $0x0  }
0x14: {  	s2 =	sld [smem:$0x3F9C];
	s0 =	simm.s32 @p1 $0x1  }
0x15: {  	[smem:$0x3FB9] =	sst s0;
	s0 =	simm.s32 @!p2 $0x0  }
0x16: {  	s3 =	sld [smem:$0x3FDB];
	s0 =	simm.s32 @p2 $0x1  }
0x17: {  	s4 =	simm.s32 $0x1BF5;
	[smem:$0x3FBB] =	sst s0  }
0x18: {  	s0 =	sld [smem:$0x3F9E];
	_ =	swait.ge [sflag:s4], $0x0  }
0x19: {  	s7 =	sld [smem:$0x3F9F]  }
0x1a: {  	s8 =	sadd.s32 $0xFFFFE003, lr  }
0x1b: {  	s9 =	sadd.s32 $0xFFFFFEF7, lr;
	s5 =	simm.s32 $0xFFFFFFFF;
	p2 =	slt.u32 s8, $0xFFFFF086  }
0x1c: {  	p1 =	slt.u32 s9, $0xF7A;
	s5 =	simm.s32 @!p2 $0x0  }
0x1d: {  	s5 =	simm.s32 @p1 $0x1;
	p0 =	seq.s32 s7, s2  }
0x1e: {  	s7 =	smul.u32 @!p0 $0xF7A, s2;
	p2 =	seq.s32 @!p0 s5, $0x0  }
0x1f: {  	s9 =	smul.u32 $0xF7A, s1;
	s8 =	simm.s32 @!p0 $0x1BF5;
	p2 =	por !p2, p0  }
0x20: {  	[sflag:s8] =	ssyncset.s32 @!p0 $0xFFFFF086;
	s6 =	sadd.s32 @!p0 s3, s7;
	s7 =	simm.s32 @!p0 $0x108  }
0x21: {  	s3 =	sadd.s32 s3, s9;
	s6 =	sadd.s32 @!p0 $0x88, s6;
	s7 =	simm.s32 @p2 $0x1082  }
0x22: {  	[simem:s7], [sflag:s8] =	dma.local @!p0 [hbm:s6], $0xF7A  }
0x23: {  	s9 =	sor.u32 $0xD0000000, s2;
	s6 =	simm.s32 $0x108;
	_ =	swait.ge @!p0 [sflag:s8], $0x0  }
0x24: {  	s3 =	sadd.s32 $0x88, s3;
	s6 =	simm.s32 @!p1 $0x1082;
	[sflag:s4] =	ssyncset.s32 $0xFFFFF086  }
0x25: {  	[simem:s6], [sflag:s4] =	dma.local [hbm:s3], $0xF7A  }
0x26: {  	[smem:$0x3F9F] =	sst s1;
	(tag) =	ssettag s2;
	_ =	strace s9  }
0x27: {  	s1 =	sld [smem:$0x3FAF]  }
0x28: {  	s2 =	sld [smem:$0x3FB0]  }
0x29: {  	s4 =	sld [smem:$0x3FB2]  }
0x2a: {  	p0 =	seq.s32 s5, $0x0;
	s5 =	sld [smem:$0x3FB3]  }
0x2b: {  	s6 =	sld [smem:$0x3FB4]  }
0x2c: {  	s7 =	sld [smem:$0x3FB5]  }
0x2d: {  	s3 =	simm.s32 $0x108;
	s8 =	sld [smem:$0x3FB6]  }
0x2e: {  	s3 =	simm.s32 @!p0 $0x1082;
	s9 =	sld [smem:$0x3FB7]  }
0x2f: {  	lr =	sadd.s32 s0, s3;
	s0 =	sld [smem:$0x3FAE]  }
0x30: {  	s3 =	sld [smem:$0x3FB1]  }
0x31: {  	[smem:$0x3FBA] =	sst s10  }
0x32: {  	s10 =	sld [smem:$0x3FB8];
	_ =	sdelay $0x3  }
0x33: {  	p0 =	seq.s32 s10, $0x1;
	s10 =	sld [smem:$0x3FBA];
	_ =	sdelay $0x3  }
0x34: {  	[smem:$0x3FBA] =	sst s10  }
0x35: {  	s10 =	sld [smem:$0x3FB9];
	_ =	sdelay $0x3  }
0x36: {  	p1 =	seq.s32 s10, $0x1;
	s10 =	sld [smem:$0x3FBA];
	_ =	sdelay $0x3  }
0x37: {  	[smem:$0x3FBA] =	sst s10  }
0x38: {  	s10 =	sld [smem:$0x3FBB]  }
0x39: {  	_ = 	snop;
	(pc) =	sbr.ind lr, $3  }
0x3a: {  	_ = 	snop  }
0x3b: {  	_ = 	snop  }
0x3c: {  	p2 =	seq.s32 s10, $0x1;
	s10 =	sld [smem:$0x3FBA]  }
0x3d: {  	_ =	shalt  }
0x3e: {  	_ =	shalt  }
0x3f: {  	_ =	shalt  }
0x40: {  	_ =	shalt  }
0x41: {  	_ =	shalt  }
0x42: {  	_ =	shalt  }
0x43: {  	_ =	shalt  }
0x44: {  	_ =	shalt  }
0x45: {  	_ =	shalt  }
0x46: {  	_ =	shalt  }
0x47: {  	_ =	shalt  }
0x48: {  	_ =	shalt  }
0x49: {  	_ =	shalt  }
0x4a: {  	_ =	shalt  }
0x4b: {  	_ =	shalt  }
0x4c: {  	_ =	shalt  }
0x4d: {  	_ =	shalt  }
0x4e: {  	_ =	shalt  }
0x4f: {  	_ =	shalt  }
0x50: {  	_ =	shalt  }
0x51: {  	_ =	shalt  }
0x52: {  	_ =	shalt  }
0x53: {  	_ =	shalt  }
0x54: {  	_ =	shalt  }
0x55: {  	_ =	shalt  }
0x56: {  	_ =	shalt  }
0x57: {  	_ =	shalt  }
0x58: {  	_ =	shalt  }
0x59: {  	_ =	shalt  }
0x5a: {  	_ =	shalt  }
0x5b: {  	_ =	shalt  }
0x5c: {  	_ =	shalt  }
0x5d: {  	_ =	shalt  }
0x5e: {  	_ =	shalt  }
0x5f: {  	_ =	shalt  }
0x60: {  	_ =	shalt  }
0x61: {  	_ =	shalt  }
0x62: {  	_ =	shalt  }
0x63: {  	_ =	shalt  }
0x64: {  	_ =	shalt  }
0x65: {  	_ =	shalt  }
0x66: {  	_ =	shalt  }
0x67: {  	_ =	shalt  }
0x68: {  	_ =	shalt  }
0x69: {  	_ =	shalt  }
0x6a: {  	_ =	shalt  }
0x6b: {  	_ =	shalt  }
0x6c: {  	_ =	shalt  }
0x6d: {  	_ =	shalt  }
0x6e: {  	_ =	shalt  }
0x6f: {  	_ =	shalt  }
0x70: {  	_ =	shalt  }
0x71: {  	_ =	shalt  }
0x72: {  	_ =	shalt  }
0x73: {  	_ =	shalt  }
0x74: {  	_ =	shalt  }
0x75: {  	_ =	shalt  }
0x76: {  	_ =	shalt  }
0x77: {  	_ =	shalt  }
0x78: {  	_ =	shalt  }
0x79: {  	_ =	shalt  }
0x7a: {  	_ =	shalt  }
0x7b: {  	_ =	shalt  }
0x7c: {  	_ =	shalt  }
0x7d: {  	_ =	shalt  }
0x7e: {  	_ =	shalt  }
0x7f: {  	_ =	shalt  }
0x80: {  	_ =	shalt  }
0x81: {  	_ =	shalt  }
0x82: {  	_ =	shalt  }
0x83: {  	_ =	shalt  }
0x84: {  	_ =	shalt  }
0x85: {  	_ =	shalt  }
0x86: {  	_ =	shalt  }
0x87: {  	_ =	shalt  }
.Lfunc_end0:
.L_simem_size_0:
called_computation_lowered:
.L_overlay_start_0:
0x88: {  	s2 =	sld [smem:$0x3FD9]  }
0x89: {  	s3 =	sld [smem:$0x3FFE];
	_ =	sdelay $0x1  }
0x8a: {  	s1 =	srdreg.scid  }
0x8b: {  	s0 =	sand.u32 $0x1, s1  }
0x8c: {  	s17 =	sshll.u32 s0, $0xA;
	s2 =	sadd.s32 s3, s2  }
0x8d: {  	s2 =	sadd.s32 s2, s17  }
0x8e: {  	[smem:$0x3FC6] =	sst s2  }
0x8f: {  	_ = 	snop  }
0x90: {  	s2 =	sld [smem:$0x3FD0];
	(tm) =	ssettm $0x1  }
0x91: {  	s18 =	sld [smem:$0x3FFB];
	_ =	sdelay $0x3  }
0x92: {  	_ =	strace s18  }
0x93: {  	s3 =	sld [smem:$0x3FFC];
	_ =	sdelay $0x3  }
0x94: {  	_ =	strace s3  }
0x95: {  	s3 =	sld [smem:$0x3FFD];
	_ =	sdelay $0x3  }
0x96: {  	_ =	strace s3  }
0x97: {  	_ =	strace $0x8FFFFFFF  }
0x98: {  	s19 =	sld [smem:$0x3FDB];
	_ =	sdelay $0x1  }
0x99: {  	s4 =	simm.s32 $_scs_section_size  }
0x9a: {  	s5 =	simm.s32 $_size__tile_overlayer_lowered;
	s6 =	simm.s32 $_tile_overlayer_lowered  }
0x9b: {  	s22 =	simm.s32 $0x1BFF;
	s21 =	sshll.u32 s6, $0x1;
	s3 =	sadd.s32 s4, s19  }
0x9c: {  	s7 =	simm.s32 $0x0;
	s20 =	sshll.u32 s5, $0x1;
	s5 =	sadd.s32 s21, s3  }
0x9d: {  	[timem:s7], [sflag:s22] =	dma.local [hbm:s5], s20  }
0x9e: {  	_ =	swait.ge [sflag:s22], s20  }
0x9f: {  	s4 =	ssub.s32 $0x0, s20;
	[sflag:s22] =	ssyncset.done $0x0  }
0xa0: {  	[sflag:s22] =	ssyncadd.s32 s4;
	_ =	sdelay $0x1  }
0xa1: {  	s23 =	simm.s32 $0x1B8B  }
0xa2: {  	_ =	swait.ge [sflag:s23], $0x1  }
0xa3: {  	[sflag:s23] =	ssyncset.done $0x0  }
0xa4: {  	s25 =	simm.s32 $0x1B8E;
	s24 =	sld [smem:$0x3FFE];
	[sflag:s23] =	ssyncadd.s32 $0xFFFFFFFF  }
0xa5: {  	s26 =	simm.s32 $execute0_lowered;
	[smem:$0x3FD2] =	sst s25  }
0xa6: {  	s5 =	sshll.u32 s26, $0x1;
	_ =	strace $0x80000046;
	[dreg:$0x1] =	wrdreg $0xFFFFFFFF  }
0xa7: {  	s28 =	simm.s32 $_size_execute0_lowered;
	s3 =	sadd.s32 s3, s5;
	[dreg:$0x0] =	wrdreg $0x0  }
0xa8: {  	s5 =	sshll.u32 s28, $0x1;
	[dreg:$0x2] =	wrdreg s3  }
0xa9: {  	[dreg:$0x3] =	wrdreg s5  }
0xaa: {  	[dreg:$0x4] =	wrdreg $0xC0  }
0xab: {  	_ =	task [dreg:s7], $0x5FFFF  }
0xac: {  	[dreg:$0x1] =	wrdreg $0xFFFFFFFF  }
0xad: {  	[dreg:$0x0] =	wrdreg $0x60  }
0xae: {  	[dreg:$0x2] =	wrdreg s2  }
0xaf: {  	[dreg:$0x3] =	wrdreg s24  }
0xb0: {  	[dreg:$0x4] =	wrdreg $0x9  }
0xb1: {  	_ =	task.clear_ibuf [dreg:s7], $0x5FFFF;
	_ =	strace $0x90000046  }
0xb2: {  	s29 =	simm.s32 $0x9;
	_ =	strace $0x80000048  }
0xb3: {  	_ =	swait.ge [sflag:s29], $0x1  }
0xb4: {  	[sflag:s29] =	ssyncadd.s32 $0xFFFFFFFF  }
0xb5: {  	_ =	strace $0x90000048  }
0xb6: {  	_ =	sfence  }
0xb7: {  	s30 =	sld [smem:$0x0];
	_ =	sdelay $0x2  }
0xb8: {  	s31 =	sshll.u32 s1, $0xD;
	s1 =	sshrl.u32 s1, $0x2  }
0xb9: {  	s3 =	sand.u32 $0x4000, s31;
	s1 =	sadd.s32 s1, s30  }
0xba: {  	s0 =	sor.u32 s3, s0;
	s1 =	sshll.u32 s1, $0x11  }
0xbb: {  	s0 =	sor.u32 s1, s0  }
0xbc: {  	s0 =	sadd.s32 $0x8F2B, s0  }
0xbd: {  	[sflag:s0] =	ssyncadd.remote.s32 $0x1  }
0xbe: {  	_ =	sfence.sel $0xFFFF  }
0xbf: {  	[dreg:$0x0] =	wrdreg $0xFFFFFFFF;
	(pc) =	sbr.abs _section_cstart, $3  }
0xc0: {  	[dreg:$0x1] =	wrdreg $0xFFFFFFFF  }
0xc1: {  	_ =	task.clear_ibuf [dreg:s7], $0x2FFFF;
	_ =	strace $0x9FFFFFFF  }
0xc2: {  	(tm) =	ssettm $0x7FFFFFFF  }
0xc3: {  	_ =	shalt  }
tec
execute0_lowered:
.L_overlay_start_1:
0x0: {  	(tag) =	ssettag $0x1  }
0x1: {  	s1 =	rddreg [dreg:$0x0]  }
0x2: {  	s6 =	rddreg [dreg:$0x1]  }
0x3: {  	s0 =	rddreg [dreg:$0x2];
	s2 =	simm.s32 $0x0;
	s3 =	srdreg.scid  }
0x4: {  	s11 =	simm.s32 $0x4000;
	s12 =	simm.s32 $0x0;
	[smem:$0x7FF] =	sst s2  }
0x5: {  	s7 =	sand.u32 $0x1, s3;
	s4 =	sadd.s32 $0x800, s6;
	s3 =	stileid.u32  }
0x6: {  	s5 =	sadd.s32 $0x600, s6;
	s6 =	sadd.s32 $0x360800, s6;
	s8 =	ssub.s32 $0x2, s7  }
0x7: {  	_ =	strace $0x80000047;
	s10 =	sshll.u32 s3, $0x1;
	s9 =	sshrl.u32 s8, $0x1  }
0x8: {  	s7 =	sor.u32 s7, s10;
	s10 =	simm.s32 $0x1;
	s8 =	ssub.s32 s8, s9  }
0x9: {  	s7 =	smul.u32 $0xD8000, s7;
	s9 =	simm.s32 $0x8000;
	s8 =	smax.u32 s8, $0x1  }
.LBB2_1:
0xa: {  	[tilespmem:s9], [sflag:$0x1] =	stream.linear.gather [hbm4b:s5+s2], $0x400, $0x38;
	[tilespmem:$0x8400] =	vst v63  }
0xb: {  	_ =	swait.ge [sflag:s10], $0x400  }
0xc: {  	[sflag:s10] =	ssyncset.done $0x0  }
0xd: {  	[sflag:s10] =	ssyncadd.s32 $0xFFFFFC00  }
0xe: {  	v0 =	vld [tilespmem:$0x8000]  }
0xf: {  	s13 =	simm.s32 $0x0;
	v1 =	vld [tilespmem:$0x8080]  }
.LBB2_2:
0x10: {  	s14 =	sshll.u32 s13, $0xE  }
0x11: {  	s14 =	sadd.s32 s7, s14  }
0x12: {  	s14 =	sshrl.u32 s14, $0x3  }
0x13: {  	s15 =	sadd.s32 s1, s14  }
0x14: {  	[tilespmem:s2], [sflag:$0x1] =	stream.linear.gather [hbm4b:s15+s2], $0x4000, $0x38;
	[tilespmem:$0x8400] =	vst v63  }
0x15: {  	_ =	swait.ge [sflag:s10], $0x4000  }
0x16: {  	[sflag:s10] =	ssyncset.done $0x0  }
0x17: {  	s31 =	sadd.s32 s4, s14;
	[sflag:s10] =	ssyncadd.s32 $0xFFFFC000  }
0x18: {  	[tilespmem:s11], [sflag:$0x1] =	stream.linear.gather [hbm4b:s31+s2], $0x4000, $0x38;
	[tilespmem:$0x8400] =	vst v63  }
0x19: {  	_ =	swait.ge [sflag:s10], $0x4000  }
0x1a: {  	[sflag:s10] =	ssyncset.done $0x0  }
0x1b: {  	s16 =	simm.s32 $0x4080;
	[sflag:s10] =	ssyncadd.s32 $0xFFFFC000  }
0x1c: {  	s15 =	simm.s32 $0x80;
	v2 =	vld [tilespmem:s16+$0xFFFFFF80]  }
0x1d: {  	v3 =	vld [tilespmem:s15+$0xFFFFFF80];
	_ =	sdelay $0x3  }
0x1e: {  	vm0 =	vlt.f32 v2, $1.000000010e-01  }
0x1f: {  	vm9 =	vgt.f32 v2, $8.999999760e-01;
	v3 =	vsel vm0, v0, v3  }
0x20: {  	v2 =	vsel vm9, v1, v3  }
0x21: {  	[tilespmem:s15+$0xFFFFFF80] =	vst v2  }
0x22: {  	v2 =	vld [tilespmem:s16+$0xFFFFFF90]  }
0x23: {  	v3 =	vld [tilespmem:s15+$0xFFFFFF90];
	_ =	sdelay $0x3  }
0x24: {  	vm10 =	vlt.f32 v2, $1.000000010e-01  }
0x25: {  	vm11 =	vgt.f32 v2, $8.999999760e-01;
	v3 =	vsel vm10, v0, v3  }
0x26: {  	v2 =	vsel vm11, v1, v3  }
0x27: {  	[tilespmem:s15+$0xFFFFFF90] =	vst v2  }
0x28: {  	v2 =	vld [tilespmem:s16+$0xFFFFFFA0]  }
0x29: {  	v3 =	vld [tilespmem:s15+$0xFFFFFFA0];
	_ =	sdelay $0x3  }
0x2a: {  	vm12 =	vlt.f32 v2, $1.000000010e-01  }
0x2b: {  	vm13 =	vgt.f32 v2, $8.999999760e-01;
	v3 =	vsel vm12, v0, v3  }
0x2c: {  	v2 =	vsel vm13, v1, v3  }
0x2d: {  	[tilespmem:s15+$0xFFFFFFA0] =	vst v2  }
0x2e: {  	v2 =	vld [tilespmem:s16+$0xFFFFFFB0]  }
0x2f: {  	v3 =	vld [tilespmem:s15+$0xFFFFFFB0];
	_ =	sdelay $0x3  }
0x30: {  	vm14 =	vlt.f32 v2, $1.000000010e-01  }
0x31: {  	vm15 =	vgt.f32 v2, $8.999999760e-01;
	v3 =	vsel vm14, v0, v3  }
0x32: {  	v2 =	vsel vm15, v1, v3  }
0x33: {  	[tilespmem:s15+$0xFFFFFFB0] =	vst v2  }
0x34: {  	v2 =	vld [tilespmem:s16+$0xFFFFFFC0]  }
0x35: {  	v3 =	vld [tilespmem:s15+$0xFFFFFFC0];
	_ =	sdelay $0x3  }
0x36: {  	vm4 =	vlt.f32 v2, $1.000000010e-01  }
0x37: {  	vm5 =	vgt.f32 v2, $8.999999760e-01;
	v3 =	vsel vm4, v0, v3  }
0x38: {  	v2 =	vsel vm5, v1, v3  }
0x39: {  	[tilespmem:s15+$0xFFFFFFC0] =	vst v2  }
0x3a: {  	v2 =	vld [tilespmem:s16+$0xFFFFFFD0]  }
0x3b: {  	v3 =	vld [tilespmem:s15+$0xFFFFFFD0];
	_ =	sdelay $0x3  }
0x3c: {  	vm6 =	vlt.f32 v2, $1.000000010e-01  }
0x3d: {  	vm7 =	vgt.f32 v2, $8.999999760e-01;
	v3 =	vsel vm6, v0, v3  }
0x3e: {  	v2 =	vsel vm7, v1, v3  }
0x3f: {  	[tilespmem:s15+$0xFFFFFFD0] =	vst v2  }
0x40: {  	v2 =	vld [tilespmem:s16+$0xFFFFFFE0]  }
0x41: {  	v3 =	vld [tilespmem:s15+$0xFFFFFFE0];
	_ =	sdelay $0x3  }
0x42: {  	vm8 =	vlt.f32 v2, $1.000000010e-01  }
0x43: {  	vm9 =	vgt.f32 v2, $8.999999760e-01;
	v3 =	vsel vm8, v0, v3  }
0x44: {  	v2 =	vsel vm9, v1, v3  }
0x45: {  	[tilespmem:s15+$0xFFFFFFE0] =	vst v2  }
0x46: {  	v2 =	vld [tilespmem:s16+$0xFFFFFFF0]  }
0x47: {  	v3 =	vld [tilespmem:s15+$0xFFFFFFF0];
	_ =	sdelay $0x3  }
0x48: {  	vm10 =	vlt.f32 v2, $1.000000010e-01  }
0x49: {  	vm11 =	vgt.f32 v2, $8.999999760e-01;
	v3 =	vsel vm10, v0, v3  }
0x4a: {  	v2 =	vsel vm11, v1, v3  }
0x4b: {  	[tilespmem:s15+$0xFFFFFFF0] =	vst v2  }
0x4c: {  	v2 =	vld [tilespmem:s16+$0x0]  }
0x4d: {  	v3 =	vld [tilespmem:s15+$0x0];
	_ =	sdelay $0x3  }
0x4e: {  	vm12 =	vlt.f32 v2, $1.000000010e-01  }
0x4f: {  	vm13 =	vgt.f32 v2, $8.999999760e-01;
	v3 =	vsel vm12, v0, v3  }
0x50: {  	v2 =	vsel vm13, v1, v3  }
0x51: {  	[tilespmem:s15+$0x0] =	vst v2  }
0x52: {  	v2 =	vld [tilespmem:s16+$0x10]  }
0x53: {  	v3 =	vld [tilespmem:s15+$0x10];
	_ =	sdelay $0x3  }
0x54: {  	vm14 =	vlt.f32 v2, $1.000000010e-01  }
0x55: {  	vm15 =	vgt.f32 v2, $8.999999760e-01;
	v3 =	vsel vm14, v0, v3  }
0x56: {  	v2 =	vsel vm15, v1, v3  }
0x57: {  	[tilespmem:s15+$0x10] =	vst v2  }
0x58: {  	v2 =	vld [tilespmem:s16+$0x20]  }
0x59: {  	v3 =	vld [tilespmem:s15+$0x20];
	_ =	sdelay $0x3  }
0x5a: {  	vm4 =	vlt.f32 v2, $1.000000010e-01  }
0x5b: {  	vm5 =	vgt.f32 v2, $8.999999760e-01;
	v3 =	vsel vm4, v0, v3  }
0x5c: {  	v2 =	vsel vm5, v1, v3  }
0x5d: {  	[tilespmem:s15+$0x20] =	vst v2  }
0x5e: {  	v2 =	vld [tilespmem:s16+$0x30]  }
0x5f: {  	v3 =	vld [tilespmem:s15+$0x30];
	_ =	sdelay $0x3  }
0x60: {  	vm6 =	vlt.f32 v2, $1.000000010e-01  }
0x61: {  	vm7 =	vgt.f32 v2, $8.999999760e-01;
	v3 =	vsel vm6, v0, v3  }
0x62: {  	v2 =	vsel vm7, v1, v3  }
0x63: {  	[tilespmem:s15+$0x30] =	vst v2  }
0x64: {  	v2 =	vld [tilespmem:s16+$0x40]  }
0x65: {  	v3 =	vld [tilespmem:s15+$0x40];
	_ =	sdelay $0x3  }
0x66: {  	vm8 =	vlt.f32 v2, $1.000000010e-01  }
0x67: {  	vm9 =	vgt.f32 v2, $8.999999760e-01;
	v3 =	vsel vm8, v0, v3  }
0x68: {  	v2 =	vsel vm9, v1, v3  }
0x69: {  	[tilespmem:s15+$0x40] =	vst v2  }
0x6a: {  	v2 =	vld [tilespmem:s16+$0x50]  }
0x6b: {  	v3 =	vld [tilespmem:s15+$0x50];
	_ =	sdelay $0x3  }
0x6c: {  	vm10 =	vlt.f32 v2, $1.000000010e-01  }
0x6d: {  	vm11 =	vgt.f32 v2, $8.999999760e-01;
	v3 =	vsel vm10, v0, v3  }
0x6e: {  	v2 =	vsel vm11, v1, v3  }
0x6f: {  	[tilespmem:s15+$0x50] =	vst v2  }
0x70: {  	v2 =	vld [tilespmem:s16+$0x60]  }
0x71: {  	v3 =	vld [tilespmem:s15+$0x60];
	_ =	sdelay $0x3  }
0x72: {  	vm12 =	vlt.f32 v2, $1.000000010e-01  }
0x73: {  	vm13 =	vgt.f32 v2, $8.999999760e-01;
	v3 =	vsel vm12, v0, v3  }
0x74: {  	v2 =	vsel vm13, v1, v3  }
0x75: {  	[tilespmem:s15+$0x60] =	vst v2  }
0x76: {  	v2 =	vld [tilespmem:s16+$0x70]  }
0x77: {  	v3 =	vld [tilespmem:s15+$0x70];
	_ =	sdelay $0x3  }
0x78: {  	vm14 =	vlt.f32 v2, $1.000000010e-01  }
0x79: {  	vm15 =	vgt.f32 v2, $8.999999760e-01;
	v3 =	vsel vm14, v0, v3  }
0x7a: {  	s17 =	simm.s32 $0x0;
	v2 =	vsel vm15, v1, v3  }
.LBB2_3:
0x7b: {  	s17 =	sadd.s32 $0x10, s17;
	[tilespmem:s15+$0x70] =	vst v2;
	s16 =	sadd.s32 $0x100, s16;
	s15 =	sadd.s32 $0x100, s15  }
0x7c: {  	v2 =	vld [tilespmem:s16+$0xFFFFFF80];
	p0 =	slt.u32 s17, $0x3F0  }
0x7d: {  	v3 =	vld [tilespmem:s15+$0xFFFFFF80];
	_ =	sdelay $0x3  }
0x7e: {  	vm0 =	vlt.f32 v2, $1.000000010e-01  }
0x7f: {  	v3 =	vsel vm0, v0, v3;
	vm0 =	vgt.f32 v2, $8.999999760e-01  }
0x80: {  	v2 =	vsel vm0, v1, v3  }
0x81: {  	[tilespmem:s15+$0xFFFFFF80] =	vst v2  }
0x82: {  	v2 =	vld [tilespmem:s16+$0xFFFFFF90]  }
0x83: {  	v3 =	vld [tilespmem:s15+$0xFFFFFF90];
	_ =	sdelay $0x3  }
0x84: {  	vm0 =	vlt.f32 v2, $1.000000010e-01  }
0x85: {  	v3 =	vsel vm0, v0, v3;
	vm0 =	vgt.f32 v2, $8.999999760e-01  }
0x86: {  	v2 =	vsel vm0, v1, v3  }
0x87: {  	[tilespmem:s15+$0xFFFFFF90] =	vst v2  }
0x88: {  	v2 =	vld [tilespmem:s16+$0xFFFFFFA0]  }
0x89: {  	v3 =	vld [tilespmem:s15+$0xFFFFFFA0];
	_ =	sdelay $0x3  }
0x8a: {  	vm0 =	vlt.f32 v2, $1.000000010e-01  }
0x8b: {  	v3 =	vsel vm0, v0, v3;
	vm0 =	vgt.f32 v2, $8.999999760e-01  }
0x8c: {  	v2 =	vsel vm0, v1, v3  }
0x8d: {  	[tilespmem:s15+$0xFFFFFFA0] =	vst v2  }
0x8e: {  	v2 =	vld [tilespmem:s16+$0xFFFFFFB0]  }
0x8f: {  	v3 =	vld [tilespmem:s15+$0xFFFFFFB0];
	_ =	sdelay $0x3  }
0x90: {  	vm0 =	vlt.f32 v2, $1.000000010e-01  }
0x91: {  	v3 =	vsel vm0, v0, v3;
	vm0 =	vgt.f32 v2, $8.999999760e-01  }
0x92: {  	v2 =	vsel vm0, v1, v3  }
0x93: {  	[tilespmem:s15+$0xFFFFFFB0] =	vst v2  }
0x94: {  	v2 =	vld [tilespmem:s16+$0xFFFFFFC0]  }
0x95: {  	v3 =	vld [tilespmem:s15+$0xFFFFFFC0];
	_ =	sdelay $0x3  }
0x96: {  	vm0 =	vlt.f32 v2, $1.000000010e-01  }
0x97: {  	v3 =	vsel vm0, v0, v3;
	vm0 =	vgt.f32 v2, $8.999999760e-01  }
0x98: {  	v2 =	vsel vm0, v1, v3  }
0x99: {  	[tilespmem:s15+$0xFFFFFFC0] =	vst v2  }
0x9a: {  	v2 =	vld [tilespmem:s16+$0xFFFFFFD0]  }
0x9b: {  	v3 =	vld [tilespmem:s15+$0xFFFFFFD0];
	_ =	sdelay $0x3  }
0x9c: {  	vm0 =	vlt.f32 v2, $1.000000010e-01  }
0x9d: {  	v3 =	vsel vm0, v0, v3;
	vm0 =	vgt.f32 v2, $8.999999760e-01  }
0x9e: {  	v2 =	vsel vm0, v1, v3  }
0x9f: {  	[tilespmem:s15+$0xFFFFFFD0] =	vst v2  }
0xa0: {  	v2 =	vld [tilespmem:s16+$0xFFFFFFE0]  }
0xa1: {  	v3 =	vld [tilespmem:s15+$0xFFFFFFE0];
	_ =	sdelay $0x3  }
0xa2: {  	vm0 =	vlt.f32 v2, $1.000000010e-01  }
0xa3: {  	v3 =	vsel vm0, v0, v3;
	vm0 =	vgt.f32 v2, $8.999999760e-01  }
0xa4: {  	v2 =	vsel vm0, v1, v3  }
0xa5: {  	[tilespmem:s15+$0xFFFFFFE0] =	vst v2  }
0xa6: {  	v2 =	vld [tilespmem:s16+$0xFFFFFFF0]  }
0xa7: {  	v3 =	vld [tilespmem:s15+$0xFFFFFFF0];
	_ =	sdelay $0x3  }
0xa8: {  	vm0 =	vlt.f32 v2, $1.000000010e-01  }
0xa9: {  	v3 =	vsel vm0, v0, v3;
	vm0 =	vgt.f32 v2, $8.999999760e-01  }
0xaa: {  	v2 =	vsel vm0, v1, v3  }
0xab: {  	[tilespmem:s15+$0xFFFFFFF0] =	vst v2  }
0xac: {  	v2 =	vld [tilespmem:s16+$0x0]  }
0xad: {  	v3 =	vld [tilespmem:s15+$0x0];
	_ =	sdelay $0x3  }
0xae: {  	vm0 =	vlt.f32 v2, $1.000000010e-01  }
0xaf: {  	v3 =	vsel vm0, v0, v3;
	vm0 =	vgt.f32 v2, $8.999999760e-01  }
0xb0: {  	v2 =	vsel vm0, v1, v3  }
0xb1: {  	[tilespmem:s15+$0x0] =	vst v2  }
0xb2: {  	v2 =	vld [tilespmem:s16+$0x10]  }
0xb3: {  	v3 =	vld [tilespmem:s15+$0x10];
	_ =	sdelay $0x3  }
0xb4: {  	vm0 =	vlt.f32 v2, $1.000000010e-01  }
0xb5: {  	v3 =	vsel vm0, v0, v3;
	vm0 =	vgt.f32 v2, $8.999999760e-01  }
0xb6: {  	v2 =	vsel vm0, v1, v3  }
0xb7: {  	[tilespmem:s15+$0x10] =	vst v2  }
0xb8: {  	v2 =	vld [tilespmem:s16+$0x20]  }
0xb9: {  	v3 =	vld [tilespmem:s15+$0x20];
	_ =	sdelay $0x3  }
0xba: {  	vm0 =	vlt.f32 v2, $1.000000010e-01  }
0xbb: {  	v3 =	vsel vm0, v0, v3;
	vm0 =	vgt.f32 v2, $8.999999760e-01  }
0xbc: {  	v2 =	vsel vm0, v1, v3  }
0xbd: {  	[tilespmem:s15+$0x20] =	vst v2  }
0xbe: {  	v2 =	vld [tilespmem:s16+$0x30]  }
0xbf: {  	v3 =	vld [tilespmem:s15+$0x30];
	_ =	sdelay $0x3  }
0xc0: {  	vm0 =	vlt.f32 v2, $1.000000010e-01  }
0xc1: {  	v3 =	vsel vm0, v0, v3;
	vm0 =	vgt.f32 v2, $8.999999760e-01  }
0xc2: {  	v2 =	vsel vm0, v1, v3  }
0xc3: {  	[tilespmem:s15+$0x30] =	vst v2  }
0xc4: {  	v2 =	vld [tilespmem:s16+$0x40]  }
0xc5: {  	v3 =	vld [tilespmem:s15+$0x40];
	_ =	sdelay $0x3  }
0xc6: {  	vm0 =	vlt.f32 v2, $1.000000010e-01  }
0xc7: {  	v3 =	vsel vm0, v0, v3;
	vm0 =	vgt.f32 v2, $8.999999760e-01  }
0xc8: {  	v2 =	vsel vm0, v1, v3  }
0xc9: {  	[tilespmem:s15+$0x40] =	vst v2  }
0xca: {  	v2 =	vld [tilespmem:s16+$0x50]  }
0xcb: {  	v3 =	vld [tilespmem:s15+$0x50];
	_ =	sdelay $0x3  }
0xcc: {  	vm0 =	vlt.f32 v2, $1.000000010e-01  }
0xcd: {  	v3 =	vsel vm0, v0, v3;
	vm0 =	vgt.f32 v2, $8.999999760e-01  }
0xce: {  	v2 =	vsel vm0, v1, v3  }
0xcf: {  	[tilespmem:s15+$0x50] =	vst v2  }
0xd0: {  	v2 =	vld [tilespmem:s16+$0x60]  }
0xd1: {  	v3 =	vld [tilespmem:s15+$0x60];
	_ =	sdelay $0x3  }
0xd2: {  	vm0 =	vlt.f32 v2, $1.000000010e-01  }
0xd3: {  	v3 =	vsel vm0, v0, v3;
	vm0 =	vgt.f32 v2, $8.999999760e-01  }
0xd4: {  	v2 =	vsel vm0, v1, v3  }
0xd5: {  	[tilespmem:s15+$0x60] =	vst v2  }
0xd6: {  	v2 =	vld [tilespmem:s16+$0x70]  }
0xd7: {  	v3 =	vld [tilespmem:s15+$0x70];
	_ =	sdelay $0x1  }
.Ltmp0:
0xd8: {  	(pc) =	sbr.rel @p0 .LBB2_3-.Ltmp0, $4  }
0xd9: {  	_ = 	snop  }
0xda: {  	vm0 =	vlt.f32 v2, $1.000000010e-01  }
0xdb: {  	v3 =	vsel vm0, v0, v3;
	vm0 =	vgt.f32 v2, $8.999999760e-01  }
0xdc: {  	v2 =	vsel vm0, v1, v3  }
0xdd: {  	s13 =	sadd.s32 $0x1, s13  }
0xde: {  	p0 =	sne.s32 s13, $0x36  }
.Ltmp1:
0xdf: {  	[tilespmem:s15+$0x70] =	vst v2;
	s14 =	sadd.s32 s6, s14;
	(pc) =	sbr.rel @p0 .LBB2_2-.Ltmp1, $4  }
0xe0: {  	[hbm4b:s14+s2] =	stream.linear.scatter [tilespmem:s2], [sflag:$0x1], $0x4000, $0x38;
	[tilespmem:$0x8400] =	vst v63  }
0xe1: {  	_ =	swait.ge [sflag:s10], $0x4000  }
0xe2: {  	[sflag:s10] =	ssyncset.done $0x0  }
0xe3: {  	[sflag:s10] =	ssyncadd.s32 $0xFFFFC000  }
0xe4: {  	s12 =	sadd.s32 $0x1, s12  }
0xe5: {  	p0 =	sne.s32 s12, s8  }
.Ltmp2:
0xe6: {  	_ = 	snop;
	(pc) =	sbr.rel @p0 .LBB2_1-.Ltmp2, $1  }
0xe7: {  	_ =	sdelay $0x3  }
0xe8: {  	_ =	sfence.sel $0x180000  }
0xe9: {  	[bflag:$0x0] =	sbarrier.arrive $0xFFFF  }
0xea: {  	p0 =	sne.s32 s3, $0x0;
	_ =	strace $0x90000047  }
0xeb: {  	s0 =	sadd.s32 @!p0 $0x100000, s0;
	[bflag:$0x2] =	sbarrier.arrive $0xFFFF  }
0xec: {  	[sflag:s0] =	ssyncadd.tile.s32 @!p0 $0x1;
	_ =	shalt  }
.Lfunc_end2:
_tile_overlayer_lowered:
.L_overlay_start_2:
0xed: {  	(tag) =	ssettag $0x2  }
0xee: {  	s0 =	rddreg [dreg:$0x0];
	s2 =	stileid.u32  }
0xef: {  	s1 =	rddreg [dreg:$0x1];
	p0 =	sne.s32 s2, $0x0  }
0xf0: {  	s3 =	rddreg [dreg:$0x2];
	[bflag:$0x3] =	sbarrier.arrive $0xFFFF;
	s2 =	simm.s32 @!p0 $0x1C01  }
0xf1: {  	[timem:s3], [sflag:s2] =	dma.local @!p0 [hbm:s0], s1  }
0xf2: {  	s0 =	simm.s32 @!p0 $0x1  }
0xf3: {  	_ =	swait.ge @!p0 [sflag:s0], s1  }
0xf4: {  	s1 =	ssub.s32 @!p0 $0x0, s1;
	[sflag:s0] =	ssyncset.done @!p0 $0x0  }
0xf5: {  	[sflag:s0] =	ssyncadd.s32 @!p0 s1  }
0xf6: {  	[bflag:$0x3] =	sbarrier.arrive $0xFFFF  }
0xf7: {  	_ =	shalt  }

</sc_bundles>
